<compile_context>
chip_gen: v7x
topology: tpu7x:2x2x1
jax: 0.10.2.dev20260603
libtpu: 0.0.44.dev20260713+nightly
codegen_flags: <defaults>
</compile_context>

<pallas_src>
import functools

import jax
import jax.numpy as jnp
import numpy as np
from jax import lax
from jax.experimental import pallas as pl
from jax.experimental.pallas import tpu as pltpu
from jax.experimental.pallas import tpu_sc as plsc

_K = 32
_R2 = np.float32(0.2 * 0.2)

_B, _N, _G, _C = 4, 8192, 1024, 128
_GB, _NB = 512, 512
_NW16 = _N // 16
_GPW = 128
_LISTN = 320
_UNROLL = 16
_RROWS = 2
_GBK = _GPW * _K

_W = np.zeros((_NB // 16, _NB), np.float32)
for _l in range(_NB):
    _W[_l // 16, _l] = float(1 << (_l % 16))
_W.setflags(write=False)


def _maskw_body(ctr_ref, pts_ref, c2_ref, p2_ref, w_ref, out_ref):
    c = ctr_ref[0]
    p = pts_ref[0]
    cp = lax.dot_general(c, p, (((1,), (0,)), ((), ())),
                         preferred_element_type=jnp.float32)
    d2 = (c2_ref[0] + p2_ref[0]) - 2.0 * cp
    mf = jnp.where(d2 < _R2, jnp.float32(1.0), jnp.float32(0.0))
    w = lax.dot_general(w_ref[...], mf, (((1,), (1,)), ((), ())),
                        preferred_element_type=jnp.float32)
    out_ref[0] = w.astype(jnp.int32)


def _mask_words(ctr, pts3, c2, p2, w):
    return pl.pallas_call(
        _maskw_body,
        grid=(_B, _G // _GB, _N // _NB),
        in_specs=[
            pl.BlockSpec((1, _GB, 3), lambda b, g, n: (b, g, 0)),
            pl.BlockSpec((1, 3, _NB), lambda b, g, n: (b, 0, n)),
            pl.BlockSpec((1, _GB, 1), lambda b, g, n: (b, g, 0)),
            pl.BlockSpec((1, 1, _NB), lambda b, g, n: (b, 0, n)),
            pl.BlockSpec((_NB // 16, _NB), lambda b, g, n: (0, 0)),
        ],
        out_specs=pl.BlockSpec((1, _NB // 16, _GB), lambda b, g, n: (b, n, g)),
        out_shape=jax.ShapeDtypeStruct((_B, _NW16, _G), jnp.int32),
    )(ctr, pts3, c2, p2, w)


_MESH = plsc.VectorSubcoreMesh(core_axis_name="c", subcore_axis_name="s",
                               num_cores=2, num_subcores=16)
_SC_PARAMS = pltpu.CompilerParams(use_tc_tiling_on_sc=False, needs_layout_passes=False)


@functools.partial(
    pl.kernel,
    out_type=(jax.ShapeDtypeStruct((_B * _G * _K,), jnp.int32),
              jax.ShapeDtypeStruct((_B * 3 * _K, _G), jnp.float32)),
    mesh=_MESH,
    scratch_types=[
        pltpu.VMEM((_NW16, _GPW), jnp.int32),
        pltpu.VMEM((_N,), jnp.float32),
        pltpu.VMEM((_N,), jnp.float32),
        pltpu.VMEM((_N,), jnp.float32),
        pltpu.VMEM((3, _GPW), jnp.float32),
        pltpu.VMEM((_LISTN,), jnp.int32),
        pltpu.VMEM((_GPW * _K,), jnp.int32),
        pltpu.VMEM((3, _K, _GPW), jnp.float32),
    ],
    compiler_params=_SC_PARAMS,
)
def _ball_sc(mw_hbm, pts_hbm, ctr_hbm, idx_hbm, gx_hbm,
             mw_v, px_v, py_v, pz_v, ctr_v, list_v, idxb_v, gxb_v):
    wid = lax.axis_index("s") * 2 + lax.axis_index("c")
    b = wid // 8
    g0 = (wid % 8) * _GPW
    pltpu.sync_copy(mw_hbm.at[pl.ds(b * _NW16, _NW16), pl.ds(g0, _GPW)], mw_v)
    pltpu.sync_copy(pts_hbm.at[pl.ds((b * 3 + 0) * _N, _N)], px_v)
    pltpu.sync_copy(pts_hbm.at[pl.ds((b * 3 + 1) * _N, _N)], py_v)
    pltpu.sync_copy(pts_hbm.at[pl.ds((b * 3 + 2) * _N, _N)], pz_v)
    pltpu.sync_copy(ctr_hbm.at[:, pl.ds(b * _G + g0, _GPW)], ctr_v)
    iota16 = lax.iota(jnp.int32, 16)
    zeros16 = jnp.zeros((16,), jnp.int32)

    def per_center(g, carry):
        gsplat = jnp.full((16,), g, jnp.int32)
        cxv = plsc.load_gather(ctr_v, [zeros16, gsplat])
        cyv = plsc.load_gather(ctr_v, [zeros16 + 1, gsplat])
        czv = plsc.load_gather(ctr_v, [zeros16 + 2, gsplat])

        def cond(st):
            wi, wpv = st
            return jnp.logical_and(wi < _NW16 // _UNROLL, jnp.max(wpv) < _K)

        def gbody(st):
            wi, wpv = st
            wrow = plsc.load_gather(mw_v, [wi * _UNROLL + iota16, gsplat])
            for u in range(_UNROLL):
                widx = wi * _UNROLL + u
                wvec = jnp.full((16,), wrow[u], jnp.int32)
                bits = lax.shift_right_logical(wvec, iota16) & 1
                m = bits == 1
                pos = (wpv + plsc.cumsum(bits)) - 1
                inds = widx * 16 + iota16
                plsc.store_scatter(list_v, [pos], inds, mask=m)
                wpv = wpv + plsc.all_reduce_population_count(m)
            return wi + 1, wpv

        st0 = (jnp.int32(0), zeros16)
        _, wpv = lax.while_loop(cond, gbody, st0)
        wp = jnp.max(wpv)
        wpb = jnp.full((16,), wp, jnp.int32)
        l0 = list_v[pl.ds(0, 16)]
        l1 = list_v[pl.ds(16, 16)]
        firv = jnp.where(wpb > 0,
                         plsc.load_gather(list_v, [zeros16]), zeros16)
        i0 = jnp.where(iota16 < wpb, l0, firv)
        i1 = jnp.where((iota16 + 16) < wpb, l1, firv)
        base = g * _K
        idxb_v[pl.ds(base, 16)] = i0
        idxb_v[pl.ds(base + 16, 16)] = i1
        for h, iv in ((0, i0), (1, i1)):
            kvec = h * 16 + iota16
            dsplat = zeros16
            for d, (pref, cv) in enumerate(((px_v, cxv), (py_v, cyv),
                                            (pz_v, czv))):
                vals = plsc.load_gather(pref, [iv]) - cv
                plsc.store_scatter(gxb_v, [dsplat + d, kvec, gsplat], vals)
        return carry

    lax.fori_loop(0, _GPW, per_center, 0)
    pltpu.sync_copy(idxb_v, idx_hbm.at[pl.ds(b * _G * _K + g0 * _K, _GBK)])
    for d in range(3):
        pltpu.sync_copy(gxb_v.at[d],
                        gx_hbm.at[pl.ds((b * 3 + d) * _K, _K),
                                  pl.ds(g0, _GPW)])


@functools.partial(
    pl.kernel,
    out_type=jax.ShapeDtypeStruct((_B * _C * _K, _G), jnp.float32),
    mesh=_MESH,
    scratch_types=[
        pltpu.VMEM((_G * _K,), jnp.int32),
        pltpu.VMEM((_RROWS, _N), jnp.float32),
        pltpu.VMEM((2, _K, _G), jnp.float32),
        pltpu.SemaphoreType.DMA,
        pltpu.SemaphoreType.DMA,
    ],
    compiler_params=_SC_PARAMS,
)
def _gather_sc(idx_hbm, feat_hbm, out_hbm, idxb_v, fbuf_v, ob_v, sem0, sem1):
    wid = lax.axis_index("s") * 2 + lax.axis_index("c")
    b = wid // 8
    c0 = (wid % 8) * (_C // 8)
    gk = _G * _K
    pltpu.sync_copy(idx_hbm.at[pl.ds(b * gk, gk)], idxb_v)
    iota16 = lax.iota(jnp.int32, 16)
    kg_iota = iota16 * _K
    sems = (sem0, sem1)
    rsplat = [jnp.full((16,), r, jnp.int32) for r in range(_RROWS)]

    def cc_body(cc, carry):
        pltpu.sync_copy(feat_hbm.at[pl.ds(b * _C + c0 + cc * _RROWS,
                                          _RROWS), :], fbuf_v)
        for r in range(_RROWS):
            crow = c0 + cc * _RROWS + r

            @pl.when(cc > 0)
            def _wait():
                pltpu.make_async_copy(
                    ob_v.at[r],
                    out_hbm.at[pl.ds((b * _C + crow) * _K, _K), :],
                    sems[r]).wait()

            def k_body(k, carry2):
                @plsc.parallel_loop(0, _G // 16, 1, unroll=4)
                def g_body(g16):
                    pv = plsc.load_gather(
                        idxb_v, [kg_iota + (g16 * (16 * _K) + k)])
                    v = plsc.load_gather(fbuf_v, [rsplat[r], pv])
                    ob_v[r, k, pl.ds(g16 * 16, 16)] = v
                return carry2

            lax.fori_loop(0, _K, k_body, 0)
            pltpu.async_copy(
                ob_v.at[r],
                out_hbm.at[pl.ds((b * _C + crow) * _K, _K), :],
                sems[r])
        return carry

    lax.fori_loop(0, (_C // 8) // _RROWS, cc_body, 0)
    for r in range(_RROWS):
        pltpu.make_async_copy(
            ob_v.at[r],
            out_hbm.at[pl.ds((b * _C + c0) * _K, _K), :],
            sems[r]).wait()


def kernel(points_xyz, center_xyz, features):
    pts3 = jnp.transpose(points_xyz, (0, 2, 1))
    c2 = jnp.sum(center_xyz * center_xyz, axis=-1)[..., None]
    p2 = jnp.sum(points_xyz * points_xyz, axis=-1)[:, None, :]
    mw = _mask_words(center_xyz, pts3, c2, p2, jnp.asarray(_W))
    ctr_t = jnp.transpose(center_xyz, (2, 0, 1)).reshape(3, _B * _G)
    idx, gx = _ball_sc(mw.reshape(_B * _NW16, _G),
                       pts3.reshape(_B * 3 * _N), ctr_t)
    gf = _gather_sc(idx, features.reshape(_B * _C, _N))
    gx4 = jnp.swapaxes(gx.reshape(_B, 3, _K, _G), 2, 3)
    gf4 = jnp.swapaxes(gf.reshape(_B, _C, _K, _G), 2, 3)
    return (gx4, gf4)

# --- scband reference (transcript-rebuilt; emitter-appended) ---
"""Pipeline reference for scband-query-and-group-69148973465940 (READ-ONLY COPY).

The authoritative reference and input builder live on the scoring server;
editing this copy changes nothing except your own understanding.
"""

import jax, jax.numpy as jnp
import numpy as np

NUM_NEIGHBORS = 32
RADIUS = 0.2


def ball_query(center_xyz, points_xyz, K, radius):
    # center_xyz: (B, G, 3), points_xyz: (B, N, 3) -> idx (B, G, K) int32
    B, G, _ = center_xyz.shape
    N = points_xyz.shape[1]
    c2 = jnp.sum(center_xyz * center_xyz, axis=-1)          # (B, G)
    p2 = jnp.sum(points_xyz * points_xyz, axis=-1)          # (B, N)
    cp = jnp.einsum('bgd,bnd->bgn', center_xyz, points_xyz)  # (B, G, N)
    d2 = c2[:, :, None] + p2[:, None, :] - 2.0 * cp          # (B, G, N)
    mask = d2 < (radius * radius)
    # CUDA ball_query picks the first K in-ball points in index order.
    score = jnp.where(mask, jnp.arange(N, dtype=jnp.int32)[None, None, :], jnp.int32(N))
    neg_vals, _ = jax.lax.top_k(-score, K)                   # K smallest scores
    idx_sorted = -neg_vals                                   # ascending point indices, N = sentinel
    first = idx_sorted[..., :1]
    first = jnp.where(first < N, first, 0)                   # if ball empty, index 0 (CUDA init)
    idx = jnp.where(idx_sorted < N, idx_sorted, first)       # pad empty slots with first in-ball idx
    return idx.astype(jnp.int32)


def grouping_operation(features, idx):
    # features: (B, C, N), idx: (B, G, K) -> (B, C, G, K)
    B, C, N = features.shape
    _, G, K = idx.shape
    flat = idx.reshape(B, 1, G * K)
    out = jnp.take_along_axis(features, flat, axis=2)        # broadcasts over C
    return out.reshape(B, C, G, K)


def setup_inputs(seed: int = 0) -> dict:
    key = jax.random.key(seed)
    k1, k2, k3 = jax.random.split(key, 3)
    points_xyz = jax.random.uniform(k1, (4, 8192, 3), dtype=jnp.float32)
    center_xyz = jax.random.uniform(k2, (4, 1024, 3), dtype=jnp.float32)
    features = jax.random.normal(k3, (4, 128, 8192), dtype=jnp.float32)
    return {"points_xyz": points_xyz, "center_xyz": center_xyz, "features": features}


def reference(points_xyz, center_xyz, features):
    idx = ball_query(center_xyz, points_xyz, NUM_NEIGHBORS, RADIUS)
    xyz_trans = jnp.transpose(points_xyz, (0, 2, 1))          # (B, 3, N)
    grouped_xyz = grouping_operation(xyz_trans, idx)          # (B, 3, G, K)
    # relative_xyz=True
    grouped_xyz = grouped_xyz - jnp.transpose(center_xyz, (0, 2, 1))[..., None]
    # normalize_xyz=False -> skip
    grouped_features = grouping_operation(features, idx)      # (B, C, G, K)
    return (grouped_xyz, grouped_features)

if __name__ == "__main__":
    import jax
    _d = setup_inputs()
    print(jax.jit(kernel)(*tuple(_d.values())))

</pallas_src>

<mosaic_0001>
#map = affine_map<(d0, d1) -> (0)>
#map1 = affine_map<(d0, d1) -> (0, 0)>
module attributes {stable_mosaic.version = 14 : i64} {
  func.func @_gather_sc(%arg0: i32, %arg1: i32, %arg2: memref<131072xi32, #tpu.memory_space<hbm>>, %arg3: memref<512x8192xf32, #tpu.memory_space<hbm>>, %arg4: memref<16384x1024xf32, #tpu.memory_space<hbm>>, %arg5: memref<32768xi32, #tpu.memory_space<vmem>>, %arg6: memref<2x8192xf32, #tpu.memory_space<vmem>>, %arg7: memref<2x32x1024xf32, #tpu.memory_space<vmem>>, %arg8: memref<!tpu.dma_semaphore, #tpu.memory_space<semaphore_mem>>, %arg9: memref<!tpu.dma_semaphore, #tpu.memory_space<semaphore_mem>>) attributes {dimension_semantics = [#tpu.dimension_semantics<core_parallel>, #tpu.dimension_semantics<subcore_parallel>], iteration_bounds = array<i64: 2, 16>, scalar_prefetch = 0 : i64, scratch_operands = 5 : i64, tpu.core_type = #tpu.core_type<sc_vector_subcore>, window_params = [{transform_indices = #map}, {transform_indices = #map1}, {transform_indices = #map1}]} {
    %mul3A = arith.constant 2 : i32
    %mul3A_0 = arith.muli %arg1, %mul3A : i32
    %add3A = arith.addi %mul3A_0, %arg0 : i32
    %jit3A = arith.constant 8 : i32
    %div3A = arith.divsi %add3A, %jit3A : i32
    %sign3A = arith.constant 0 : i32
    %sign3A_1 = arith.cmpi sgt, %add3A, %sign3A : i32
    %sign3A_2 = arith.extui %sign3A_1 : i1 to i32
    %sign3A_3 = arith.constant 0 : i32
    %sign3A_4 = arith.cmpi slt, %add3A, %sign3A_3 : i32
    %sign3A_5 = arith.extui %sign3A_4 : i1 to i32
    %sign3A_6 = arith.subi %sign3A_2, %sign3A_5 : i32
    %sign3A_7 = arith.constant 0 : i32
    %sign3A_8 = arith.cmpi sgt, %jit3A, %sign3A_7 : i32
    %sign3A_9 = arith.extui %sign3A_8 : i1 to i32
    %sign3A_10 = arith.constant 0 : i32
    %sign3A_11 = arith.cmpi slt, %jit3A, %sign3A_10 : i32
    %sign3A_12 = arith.extui %sign3A_11 : i1 to i32
    %sign3A_13 = arith.subi %sign3A_9, %sign3A_12 : i32
    %ne3A = arith.cmpi ne, %sign3A_6, %sign3A_13 : i32
    %rem3A = arith.remsi %add3A, %jit3A : i32
    %ne3A_14 = arith.constant 0 : i32
    %ne3A_15 = arith.cmpi ne, %rem3A, %ne3A_14 : i32
    %and3A = arith.andi %ne3A, %ne3A_15 : i1
    %sub3A = arith.constant 1 : i32
    %sub3A_16 = arith.subi %div3A, %sub3A : i32
    %select_n3A = arith.select %and3A, %sub3A_16, %div3A : i32
    %jit3A_17 = arith.constant 8 : i32
    %eq3A = arith.constant 0 : i32
    %eq3A_18 = arith.cmpi eq, %jit3A_17, %eq3A : i32
    %jit3A_19 = arith.constant 1 : i32
    %select_n3A_20 = arith.select %eq3A_18, %jit3A_19, %jit3A_17 : i32
    %rem3A_21 = arith.remsi %add3A, %select_n3A_20 : i32
    %ne3A_22 = arith.constant 0 : i32
    %ne3A_23 = arith.cmpi ne, %rem3A_21, %ne3A_22 : i32
    %lt3A = arith.constant 0 : i32
    %lt3A_24 = arith.cmpi slt, %rem3A_21, %lt3A : i32
    %lt3A_25 = arith.constant 0 : i32
    %lt3A_26 = arith.cmpi slt, %select_n3A_20, %lt3A_25 : i32
    %ne3A_27 = arith.xori %lt3A_24, %lt3A_26 : i1
    %and3A_28 = arith.andi %ne3A_27, %ne3A_23 : i1
    %add3A_29 = arith.addi %rem3A_21, %select_n3A_20 : i32
    %select_n3A_30 = arith.select %and3A_28, %add3A_29, %rem3A_21 : i32
    %mul3A_31 = arith.constant 16 : i32
    %mul3A_32 = arith.muli %select_n3A_30, %mul3A_31 : i32
    %mul3A_33 = arith.constant 32768 : i32
    %mul3A_34 = arith.muli %select_n3A, %mul3A_33 : i32
    "tpu.region"() ({
      %run_scoped3A = tpu.sem_alloc : memref<!tpu.dma_semaphore, #tpu.memory_space<semaphore_mem>>
      %dma_start3A = tpu.memref_slice %arg2[%mul3A_34] : memref<131072xi32, #tpu.memory_space<hbm>> -> memref<32768xi32, #tpu.memory_space<hbm>>
      %dma_start3A_81 = tpu.memref_slice %arg2[%mul3A_34] : memref<131072xi32, #tpu.memory_space<hbm>> -> memref<32768xi32, #tpu.memory_space<hbm>>
      tpu.enqueue_dma source(%dma_start3A_81 : memref<32768xi32, #tpu.memory_space<hbm>>) target(%arg5 : memref<32768xi32, #tpu.memory_space<vmem>>) target_semaphore(%run_scoped3A : memref<!tpu.dma_semaphore, #tpu.memory_space<semaphore_mem>>)
      %dma_wait3A_82 = tpu.memref_slice %arg2[%mul3A_34] : memref<131072xi32, #tpu.memory_space<hbm>> -> memref<32768xi32, #tpu.memory_space<hbm>>
      %dma_wait3A_83 = tpu.memref_slice %arg2[%mul3A_34] : memref<131072xi32, #tpu.memory_space<hbm>> -> memref<32768xi32, #tpu.memory_space<hbm>>
      tpu.wait_dma2 semaphore(%run_scoped3A : memref<!tpu.dma_semaphore, #tpu.memory_space<semaphore_mem>>) src(%dma_wait3A_83 : memref<32768xi32, #tpu.memory_space<hbm>>) dst(%arg5 : memref<32768xi32, #tpu.memory_space<vmem>>)
      tpu.yield
    }) : () -> ()
    %iota3A = tpu.iota {dimensions = array<i32: 0>} : vector<16xi32>
    %mul3A_35 = arith.constant 32 : i32
    %mul3A_36 = vector.broadcast %mul3A_35 : i32 to vector<16xi32>
    %mul3A_37 = arith.muli %iota3A, %mul3A_36 : vector<16xi32>
    %broadcast_in_dim3A = arith.constant 0 : i32
    %broadcast_in_dim3A_38 = vector.broadcast %broadcast_in_dim3A : i32 to vector<16xi32>
    %broadcast_in_dim3A_39 = arith.constant 1 : i32
    %broadcast_in_dim3A_40 = vector.broadcast %broadcast_in_dim3A_39 : i32 to vector<16xi32>
    %scan3A = arith.constant 0 : i32
    %scan3A_41 = arith.constant 0 : i32
    %scan3A_42 = arith.constant 8 : i32
    %scan3A_43 = arith.addi %scan3A_41, %scan3A_42 : i32
    %scan3A_44 = arith.constant 1 : i32
    scf.for %scan3A_81 = %scan3A_41 to %scan3A_43 step %scan3A_44  : i32 {
      %mul3A_82 = arith.constant 128 : i32
      %mul3A_83 = arith.muli %select_n3A, %mul3A_82 : i32
      %add3A_84 = arith.addi %mul3A_83, %mul3A_32 : i32
      %mul3A_85 = arith.constant 2 : i32
      %mul3A_86 = arith.muli %scan3A_81, %mul3A_85 : i32
      %add3A_87 = arith.addi %add3A_84, %mul3A_86 : i32
      "tpu.region"() ({
        %run_scoped3A = tpu.sem_alloc : memref<!tpu.dma_semaphore, #tpu.memory_space<semaphore_mem>>
        %dma_start3A_152 = arith.constant 0 : i32
        %dma_start3A_153 = tpu.memref_slice %arg3[%add3A_87, %dma_start3A_152] : memref<512x8192xf32, #tpu.memory_space<hbm>> -> memref<2x8192xf32, #tpu.memory_space<hbm>>
        %dma_start3A_154 = arith.constant 0 : i32
        %dma_start3A_155 = tpu.memref_slice %arg3[%add3A_87, %dma_start3A_154] : memref<512x8192xf32, #tpu.memory_space<hbm>> -> memref<2x8192xf32, #tpu.memory_space<hbm>>
        tpu.enqueue_dma source(%dma_start3A_155 : memref<2x8192xf32, #tpu.memory_space<hbm>>) target(%arg6 : memref<2x8192xf32, #tpu.memory_space<vmem>>) target_semaphore(%run_scoped3A : memref<!tpu.dma_semaphore, #tpu.memory_space<semaphore_mem>>)
        %dma_wait3A_156 = arith.constant 0 : i32
        %dma_wait3A_157 = tpu.memref_slice %arg3[%add3A_87, %dma_wait3A_156] : memref<512x8192xf32, #tpu.memory_space<hbm>> -> memref<2x8192xf32, #tpu.memory_space<hbm>>
        %dma_wait3A_158 = arith.constant 0 : i32
        %dma_wait3A_159 = tpu.memref_slice %arg3[%add3A_87, %dma_wait3A_158] : memref<512x8192xf32, #tpu.memory_space<hbm>> -> memref<2x8192xf32, #tpu.memory_space<hbm>>
        tpu.wait_dma2 semaphore(%run_scoped3A : memref<!tpu.dma_semaphore, #tpu.memory_space<semaphore_mem>>) src(%dma_wait3A_159 : memref<2x8192xf32, #tpu.memory_space<hbm>>) dst(%arg6 : memref<2x8192xf32, #tpu.memory_space<vmem>>)
        tpu.yield
      }) : () -> ()
      %mul3A_88 = arith.constant 2 : i32
      %mul3A_89 = arith.muli %scan3A_81, %mul3A_88 : i32
      %add3A_90 = arith.addi %mul3A_32, %mul3A_89 : i32
      %add3A_91 = arith.constant 0 : i32
      %add3A_92 = arith.addi %add3A_90, %add3A_91 : i32
      %gt3A = arith.constant 0 : i32
      %gt3A_93 = arith.cmpi sgt, %scan3A_81, %gt3A : i32
      %convert_element_type3A = arith.extui %gt3A_93 : i1 to i32
      %cond3A = arith.constant 0 : i32
      %cond3A_94 = arith.cmpi ne, %convert_element_type3A, %cond3A : i32
      scf.if %cond3A_94 {
        %mul3A_152 = arith.constant 128 : i32
        %mul3A_153 = arith.muli %select_n3A, %mul3A_152 : i32
        %add3A_154 = arith.addi %mul3A_153, %add3A_92 : i32
        %mul3A_155 = arith.constant 32 : i32
        %mul3A_156 = arith.muli %add3A_154, %mul3A_155 : i32
        %dma_wait3A_157 = arith.constant 0 : i32
        %dma_wait3A_158 = arith.constant 0 : i32
        %dma_wait3A_159 = arith.constant 0 : i32
        %dma_wait3A_160 = tpu.memref_slice %arg7[%dma_wait3A_157, %dma_wait3A_158, %dma_wait3A_159] : memref<2x32x1024xf32, #tpu.memory_space<vmem>> -> memref<1x32x1024xf32, #tpu.memory_space<vmem>>
        %dma_wait3A_161 = tpu.memref_squeeze %dma_wait3A_160 : memref<1x32x1024xf32, #tpu.memory_space<vmem>> -> memref<32x1024xf32, #tpu.memory_space<vmem>>
        %dma_wait3A_162 = arith.constant 0 : i32
        %dma_wait3A_163 = tpu.memref_slice %arg4[%mul3A_156, %dma_wait3A_162] : memref<16384x1024xf32, #tpu.memory_space<hbm>> -> memref<32x1024xf32, #tpu.memory_space<hbm>>
        %dma_wait3A_164 = arith.constant 0 : i32
        %dma_wait3A_165 = tpu.memref_slice %arg4[%mul3A_156, %dma_wait3A_164] : memref<16384x1024xf32, #tpu.memory_space<hbm>> -> memref<32x1024xf32, #tpu.memory_space<hbm>>
        %dma_wait3A_166 = arith.constant 0 : i32
        %dma_wait3A_167 = arith.constant 0 : i32
        %dma_wait3A_168 = tpu.memref_slice %arg7[%dma_wait3A_157, %dma_wait3A_166, %dma_wait3A_167] : memref<2x32x1024xf32, #tpu.memory_space<vmem>> -> memref<1x32x1024xf32, #tpu.memory_space<vmem>>
        %dma_wait3A_169 = tpu.memref_squeeze %dma_wait3A_168 : memref<1x32x1024xf32, #tpu.memory_space<vmem>> -> memref<32x1024xf32, #tpu.memory_space<vmem>>
        tpu.wait_dma2 semaphore(%arg8 : memref<!tpu.dma_semaphore, #tpu.memory_space<semaphore_mem>>) src(%dma_wait3A_169 : memref<32x1024xf32, #tpu.memory_space<vmem>>) dst(%dma_wait3A_165 : memref<32x1024xf32, #tpu.memory_space<hbm>>)
      } else {
      }
      %scan3A_95 = arith.constant 0 : i32
      %scan3A_96 = arith.constant 0 : i32
      %scan3A_97 = arith.constant 32 : i32
      %scan3A_98 = arith.addi %scan3A_96, %scan3A_97 : i32
      %scan3A_99 = arith.constant 1 : i32
      scf.for %scan3A_152 = %scan3A_96 to %scan3A_98 step %scan3A_99  : i32 {
        %parallel_loop3A = arith.constant 0 : i32
        %parallel_loop3A_153 = arith.constant 64 : i32
        %parallel_loop3A_154 = arith.constant 1 : i32
        scf.for %parallel_loop3A_155 = %parallel_loop3A to %parallel_loop3A_153 step %parallel_loop3A_154  : i32 {
          %parallel_loop3A_156 = arith.constant 512 : i32
          %parallel_loop3A_157 = arith.muli %parallel_loop3A_155, %parallel_loop3A_156 : i32
          %parallel_loop3A_158 = arith.addi %parallel_loop3A_157, %scan3A_152 : i32
          %parallel_loop3A_159 = vector.broadcast %parallel_loop3A_158 : i32 to vector<16xi32>
          %parallel_loop3A_160 = arith.addi %mul3A_37, %parallel_loop3A_159 : vector<16xi32>
          %parallel_loop3A_161 = tpu.vector_load_idx %arg5[%parallel_loop3A_160] : memref<32768xi32, #tpu.memory_space<vmem>>[vector<16xi32>], vector<16xi32>,
          %parallel_loop3A_162 = tpu.vector_load_idx %arg6[%broadcast_in_dim3A_38, %parallel_loop3A_161] : memref<2x8192xf32, #tpu.memory_space<vmem>>[vector<16xi32>, vector<16xi32>], vector<16xf32>,
          %parallel_loop3A_163 = arith.constant 16 : i32
          %parallel_loop3A_164 = arith.muli %parallel_loop3A_155, %parallel_loop3A_163 : i32
          %parallel_loop3A_165 = arith.constant 0 : i32
          %parallel_loop3A_166 = arith.index_cast %parallel_loop3A_165 : i32 to index
          %parallel_loop3A_167 = arith.index_cast %scan3A_152 : i32 to index
          %parallel_loop3A_168 = arith.index_cast %parallel_loop3A_164 : i32 to index
          %parallel_loop3A_169 = tpu.vector_load %arg7[%parallel_loop3A_166, %parallel_loop3A_167, %parallel_loop3A_168] {strides = array<i32>} : memref<2x32x1024xf32, #tpu.memory_space<vmem>>, vector<16xf32>,
          tpu.vector_store %arg7[%parallel_loop3A_166, %parallel_loop3A_167, %parallel_loop3A_168], %parallel_loop3A_162 {strides = array<i32>} : memref<2x32x1024xf32, #tpu.memory_space<vmem>>, vector<16xf32>,
        } {sc.loop_unroll_factor = 4 : i64, sc.parallel_access}
      }
      %scan3A_100 = arith.constant 32 : i32
      %mul3A_101 = arith.constant 128 : i32
      %mul3A_102 = arith.muli %select_n3A, %mul3A_101 : i32
      %add3A_103 = arith.addi %mul3A_102, %add3A_92 : i32
      %mul3A_104 = arith.constant 32 : i32
      %mul3A_105 = arith.muli %add3A_103, %mul3A_104 : i32
      %dma_start3A = arith.constant 0 : i32
      %dma_start3A_106 = arith.constant 0 : i32
      %dma_start3A_107 = arith.constant 0 : i32
      %dma_start3A_108 = tpu.memref_slice %arg7[%dma_start3A, %dma_start3A_106, %dma_start3A_107] : memref<2x32x1024xf32, #tpu.memory_space<vmem>> -> memref<1x32x1024xf32, #tpu.memory_space<vmem>>
      %dma_start3A_109 = tpu.memref_squeeze %dma_start3A_108 : memref<1x32x1024xf32, #tpu.memory_space<vmem>> -> memref<32x1024xf32, #tpu.memory_space<vmem>>
      %dma_start3A_110 = arith.constant 0 : i32
      %dma_start3A_111 = tpu.memref_slice %arg4[%mul3A_105, %dma_start3A_110] : memref<16384x1024xf32, #tpu.memory_space<hbm>> -> memref<32x1024xf32, #tpu.memory_space<hbm>>
      %dma_start3A_112 = arith.constant 0 : i32
      %dma_start3A_113 = tpu.memref_slice %arg4[%mul3A_105, %dma_start3A_112] : memref<16384x1024xf32, #tpu.memory_space<hbm>> -> memref<32x1024xf32, #tpu.memory_space<hbm>>
      %dma_start3A_114 = arith.constant 0 : i32
      %dma_start3A_115 = arith.constant 0 : i32
      %dma_start3A_116 = tpu.memref_slice %arg7[%dma_start3A, %dma_start3A_114, %dma_start3A_115] : memref<2x32x1024xf32, #tpu.memory_space<vmem>> -> memref<1x32x1024xf32, #tpu.memory_space<vmem>>
      %dma_start3A_117 = tpu.memref_squeeze %dma_start3A_116 : memref<1x32x1024xf32, #tpu.memory_space<vmem>> -> memref<32x1024xf32, #tpu.memory_space<vmem>>
      tpu.enqueue_dma source(%dma_start3A_117 : memref<32x1024xf32, #tpu.memory_space<vmem>>) target(%dma_start3A_113 : memref<32x1024xf32, #tpu.memory_space<hbm>>) target_semaphore(%arg8 : memref<!tpu.dma_semaphore, #tpu.memory_space<semaphore_mem>>)
      %mul3A_118 = arith.constant 2 : i32
      %mul3A_119 = arith.muli %scan3A_81, %mul3A_118 : i32
      %add3A_120 = arith.addi %mul3A_32, %mul3A_119 : i32
      %add3A_121 = arith.constant 1 : i32
      %add3A_122 = arith.addi %add3A_120, %add3A_121 : i32
      %gt3A_123 = arith.constant 0 : i32
      %gt3A_124 = arith.cmpi sgt, %scan3A_81, %gt3A_123 : i32
      %convert_element_type3A_125 = arith.extui %gt3A_124 : i1 to i32
      %cond3A_126 = arith.constant 0 : i32
      %cond3A_127 = arith.cmpi ne, %convert_element_type3A_125, %cond3A_126 : i32
      scf.if %cond3A_127 {
        %mul3A_152 = arith.constant 128 : i32
        %mul3A_153 = arith.muli %select_n3A, %mul3A_152 : i32
        %add3A_154 = arith.addi %mul3A_153, %add3A_122 : i32
        %mul3A_155 = arith.constant 32 : i32
        %mul3A_156 = arith.muli %add3A_154, %mul3A_155 : i32
        %dma_wait3A_157 = arith.constant 1 : i32
        %dma_wait3A_158 = arith.constant 0 : i32
        %dma_wait3A_159 = arith.constant 0 : i32
        %dma_wait3A_160 = tpu.memref_slice %arg7[%dma_wait3A_157, %dma_wait3A_158, %dma_wait3A_159] : memref<2x32x1024xf32, #tpu.memory_space<vmem>> -> memref<1x32x1024xf32, #tpu.memory_space<vmem>>
        %dma_wait3A_161 = tpu.memref_squeeze %dma_wait3A_160 : memref<1x32x1024xf32, #tpu.memory_space<vmem>> -> memref<32x1024xf32, #tpu.memory_space<vmem>>
        %dma_wait3A_162 = arith.constant 0 : i32
        %dma_wait3A_163 = tpu.memref_slice %arg4[%mul3A_156, %dma_wait3A_162] : memref<16384x1024xf32, #tpu.memory_space<hbm>> -> memref<32x1024xf32, #tpu.memory_space<hbm>>
        %dma_wait3A_164 = arith.constant 0 : i32
        %dma_wait3A_165 = tpu.memref_slice %arg4[%mul3A_156, %dma_wait3A_164] : memref<16384x1024xf32, #tpu.memory_space<hbm>> -> memref<32x1024xf32, #tpu.memory_space<hbm>>
        %dma_wait3A_166 = arith.constant 0 : i32
        %dma_wait3A_167 = arith.constant 0 : i32
        %dma_wait3A_168 = tpu.memref_slice %arg7[%dma_wait3A_157, %dma_wait3A_166, %dma_wait3A_167] : memref<2x32x1024xf32, #tpu.memory_space<vmem>> -> memref<1x32x1024xf32, #tpu.memory_space<vmem>>
        %dma_wait3A_169 = tpu.memref_squeeze %dma_wait3A_168 : memref<1x32x1024xf32, #tpu.memory_space<vmem>> -> memref<32x1024xf32, #tpu.memory_space<vmem>>
        tpu.wait_dma2 semaphore(%arg9 : memref<!tpu.dma_semaphore, #tpu.memory_space<semaphore_mem>>) src(%dma_wait3A_169 : memref<32x1024xf32, #tpu.memory_space<vmem>>) dst(%dma_wait3A_165 : memref<32x1024xf32, #tpu.memory_space<hbm>>)
      } else {
      }
      %scan3A_128 = arith.constant 0 : i32
      %scan3A_129 = arith.constant 0 : i32
      %scan3A_130 = arith.constant 32 : i32
      %scan3A_131 = arith.addi %scan3A_129, %scan3A_130 : i32
      %scan3A_132 = arith.constant 1 : i32
      scf.for %scan3A_152 = %scan3A_129 to %scan3A_131 step %scan3A_132  : i32 {
        %parallel_loop3A = arith.constant 0 : i32
        %parallel_loop3A_153 = arith.constant 64 : i32
        %parallel_loop3A_154 = arith.constant 1 : i32
        scf.for %parallel_loop3A_155 = %parallel_loop3A to %parallel_loop3A_153 step %parallel_loop3A_154  : i32 {
          %parallel_loop3A_156 = arith.constant 512 : i32
          %parallel_loop3A_157 = arith.muli %parallel_loop3A_155, %parallel_loop3A_156 : i32
          %parallel_loop3A_158 = arith.addi %parallel_loop3A_157, %scan3A_152 : i32
          %parallel_loop3A_159 = vector.broadcast %parallel_loop3A_158 : i32 to vector<16xi32>
          %parallel_loop3A_160 = arith.addi %mul3A_37, %parallel_loop3A_159 : vector<16xi32>
          %parallel_loop3A_161 = tpu.vector_load_idx %arg5[%parallel_loop3A_160] : memref<32768xi32, #tpu.memory_space<vmem>>[vector<16xi32>], vector<16xi32>,
          %parallel_loop3A_162 = tpu.vector_load_idx %arg6[%broadcast_in_dim3A_40, %parallel_loop3A_161] : memref<2x8192xf32, #tpu.memory_space<vmem>>[vector<16xi32>, vector<16xi32>], vector<16xf32>,
          %parallel_loop3A_163 = arith.constant 16 : i32
          %parallel_loop3A_164 = arith.muli %parallel_loop3A_155, %parallel_loop3A_163 : i32
          %parallel_loop3A_165 = arith.constant 1 : i32
          %parallel_loop3A_166 = arith.index_cast %parallel_loop3A_165 : i32 to index
          %parallel_loop3A_167 = arith.index_cast %scan3A_152 : i32 to index
          %parallel_loop3A_168 = arith.index_cast %parallel_loop3A_164 : i32 to index
          %parallel_loop3A_169 = tpu.vector_load %arg7[%parallel_loop3A_166, %parallel_loop3A_167, %parallel_loop3A_168] {strides = array<i32>} : memref<2x32x1024xf32, #tpu.memory_space<vmem>>, vector<16xf32>,
          tpu.vector_store %arg7[%parallel_loop3A_166, %parallel_loop3A_167, %parallel_loop3A_168], %parallel_loop3A_162 {strides = array<i32>} : memref<2x32x1024xf32, #tpu.memory_space<vmem>>, vector<16xf32>,
        } {sc.loop_unroll_factor = 4 : i64, sc.parallel_access}
      }
      %scan3A_133 = arith.constant 32 : i32
      %mul3A_134 = arith.constant 128 : i32
      %mul3A_135 = arith.muli %select_n3A, %mul3A_134 : i32
      %add3A_136 = arith.addi %mul3A_135, %add3A_122 : i32
      %mul3A_137 = arith.constant 32 : i32
      %mul3A_138 = arith.muli %add3A_136, %mul3A_137 : i32
      %dma_start3A_139 = arith.constant 1 : i32
      %dma_start3A_140 = arith.constant 0 : i32
      %dma_start3A_141 = arith.constant 0 : i32
      %dma_start3A_142 = tpu.memref_slice %arg7[%dma_start3A_139, %dma_start3A_140, %dma_start3A_141] : memref<2x32x1024xf32, #tpu.memory_space<vmem>> -> memref<1x32x1024xf32, #tpu.memory_space<vmem>>
      %dma_start3A_143 = tpu.memref_squeeze %dma_start3A_142 : memref<1x32x1024xf32, #tpu.memory_space<vmem>> -> memref<32x1024xf32, #tpu.memory_space<vmem>>
      %dma_start3A_144 = arith.constant 0 : i32
      %dma_start3A_145 = tpu.memref_slice %arg4[%mul3A_138, %dma_start3A_144] : memref<16384x1024xf32, #tpu.memory_space<hbm>> -> memref<32x1024xf32, #tpu.memory_space<hbm>>
      %dma_start3A_146 = arith.constant 0 : i32
      %dma_start3A_147 = tpu.memref_slice %arg4[%mul3A_138, %dma_start3A_146] : memref<16384x1024xf32, #tpu.memory_space<hbm>> -> memref<32x1024xf32, #tpu.memory_space<hbm>>
      %dma_start3A_148 = arith.constant 0 : i32
      %dma_start3A_149 = arith.constant 0 : i32
      %dma_start3A_150 = tpu.memref_slice %arg7[%dma_start3A_139, %dma_start3A_148, %dma_start3A_149] : memref<2x32x1024xf32, #tpu.memory_space<vmem>> -> memref<1x32x1024xf32, #tpu.memory_space<vmem>>
      %dma_start3A_151 = tpu.memref_squeeze %dma_start3A_150 : memref<1x32x1024xf32, #tpu.memory_space<vmem>> -> memref<32x1024xf32, #tpu.memory_space<vmem>>
      tpu.enqueue_dma source(%dma_start3A_151 : memref<32x1024xf32, #tpu.memory_space<vmem>>) target(%dma_start3A_147 : memref<32x1024xf32, #tpu.memory_space<hbm>>) target_semaphore(%arg9 : memref<!tpu.dma_semaphore, #tpu.memory_space<semaphore_mem>>)
    }
    %scan3A_45 = arith.constant 8 : i32
    %mul3A_46 = arith.constant 128 : i32
    %mul3A_47 = arith.muli %select_n3A, %mul3A_46 : i32
    %add3A_48 = arith.addi %mul3A_47, %mul3A_32 : i32
    %mul3A_49 = arith.constant 32 : i32
    %mul3A_50 = arith.muli %add3A_48, %mul3A_49 : i32
    %dma_wait3A = arith.constant 0 : i32
    %dma_wait3A_51 = arith.constant 0 : i32
    %dma_wait3A_52 = arith.constant 0 : i32
    %dma_wait3A_53 = tpu.memref_slice %arg7[%dma_wait3A, %dma_wait3A_51, %dma_wait3A_52] : memref<2x32x1024xf32, #tpu.memory_space<vmem>> -> memref<1x32x1024xf32, #tpu.memory_space<vmem>>
    %dma_wait3A_54 = tpu.memref_squeeze %dma_wait3A_53 : memref<1x32x1024xf32, #tpu.memory_space<vmem>> -> memref<32x1024xf32, #tpu.memory_space<vmem>>
    %dma_wait3A_55 = arith.constant 0 : i32
    %dma_wait3A_56 = tpu.memref_slice %arg4[%mul3A_50, %dma_wait3A_55] : memref<16384x1024xf32, #tpu.memory_space<hbm>> -> memref<32x1024xf32, #tpu.memory_space<hbm>>
    %dma_wait3A_57 = arith.constant 0 : i32
    %dma_wait3A_58 = tpu.memref_slice %arg4[%mul3A_50, %dma_wait3A_57] : memref<16384x1024xf32, #tpu.memory_space<hbm>> -> memref<32x1024xf32, #tpu.memory_space<hbm>>
    %dma_wait3A_59 = arith.constant 0 : i32
    %dma_wait3A_60 = arith.constant 0 : i32
    %dma_wait3A_61 = tpu.memref_slice %arg7[%dma_wait3A, %dma_wait3A_59, %dma_wait3A_60] : memref<2x32x1024xf32, #tpu.memory_space<vmem>> -> memref<1x32x1024xf32, #tpu.memory_space<vmem>>
    %dma_wait3A_62 = tpu.memref_squeeze %dma_wait3A_61 : memref<1x32x1024xf32, #tpu.memory_space<vmem>> -> memref<32x1024xf32, #tpu.memory_space<vmem>>
    tpu.wait_dma2 semaphore(%arg8 : memref<!tpu.dma_semaphore, #tpu.memory_space<semaphore_mem>>) src(%dma_wait3A_62 : memref<32x1024xf32, #tpu.memory_space<vmem>>) dst(%dma_wait3A_58 : memref<32x1024xf32, #tpu.memory_space<hbm>>)
    %mul3A_63 = arith.constant 128 : i32
    %mul3A_64 = arith.muli %select_n3A, %mul3A_63 : i32
    %add3A_65 = arith.addi %mul3A_64, %mul3A_32 : i32
    %mul3A_66 = arith.constant 32 : i32
    %mul3A_67 = arith.muli %add3A_65, %mul3A_66 : i32
    %dma_wait3A_68 = arith.constant 1 : i32
    %dma_wait3A_69 = arith.constant 0 : i32
    %dma_wait3A_70 = arith.constant 0 : i32
    %dma_wait3A_71 = tpu.memref_slice %arg7[%dma_wait3A_68, %dma_wait3A_69, %dma_wait3A_70] : memref<2x32x1024xf32, #tpu.memory_space<vmem>> -> memref<1x32x1024xf32, #tpu.memory_space<vmem>>
    %dma_wait3A_72 = tpu.memref_squeeze %dma_wait3A_71 : memref<1x32x1024xf32, #tpu.memory_space<vmem>> -> memref<32x1024xf32, #tpu.memory_space<vmem>>
    %dma_wait3A_73 = arith.constant 0 : i32
    %dma_wait3A_74 = tpu.memref_slice %arg4[%mul3A_67, %dma_wait3A_73] : memref<16384x1024xf32, #tpu.memory_space<hbm>> -> memref<32x1024xf32, #tpu.memory_space<hbm>>
    %dma_wait3A_75 = arith.constant 0 : i32
    %dma_wait3A_76 = tpu.memref_slice %arg4[%mul3A_67, %dma_wait3A_75] : memref<16384x1024xf32, #tpu.memory_space<hbm>> -> memref<32x1024xf32, #tpu.memory_space<hbm>>
    %dma_wait3A_77 = arith.constant 0 : i32
    %dma_wait3A_78 = arith.constant 0 : i32
    %dma_wait3A_79 = tpu.memref_slice %arg7[%dma_wait3A_68, %dma_wait3A_77, %dma_wait3A_78] : memref<2x32x1024xf32, #tpu.memory_space<vmem>> -> memref<1x32x1024xf32, #tpu.memory_space<vmem>>
    %dma_wait3A_80 = tpu.memref_squeeze %dma_wait3A_79 : memref<1x32x1024xf32, #tpu.memory_space<vmem>> -> memref<32x1024xf32, #tpu.memory_space<vmem>>
    tpu.wait_dma2 semaphore(%arg9 : memref<!tpu.dma_semaphore, #tpu.memory_space<semaphore_mem>>) src(%dma_wait3A_80 : memref<32x1024xf32, #tpu.memory_space<vmem>>) dst(%dma_wait3A_76 : memref<32x1024xf32, #tpu.memory_space<hbm>>)
    return
  }
}

#map = affine_map<(d0, d1) -> (0, 0)>
#map1 = affine_map<(d0, d1) -> (0)>
module attributes {stable_mosaic.version = 14 : i64} {
  func.func @_ball_sc(%arg0: i32, %arg1: i32, %arg2: memref<2048x1024xi32, #tpu.memory_space<hbm>>, %arg3: memref<98304xf32, #tpu.memory_space<hbm>>, %arg4: memref<3x4096xf32, #tpu.memory_space<hbm>>, %arg5: memref<131072xi32, #tpu.memory_space<hbm>>, %arg6: memref<384x1024xf32, #tpu.memory_space<hbm>>, %arg7: memref<512x128xi32, #tpu.memory_space<vmem>>, %arg8: memref<8192xf32, #tpu.memory_space<vmem>>, %arg9: memref<8192xf32, #tpu.memory_space<vmem>>, %arg10: memref<8192xf32, #tpu.memory_space<vmem>>, %arg11: memref<3x128xf32, #tpu.memory_space<vmem>>, %arg12: memref<320xi32, #tpu.memory_space<vmem>>, %arg13: memref<4096xi32, #tpu.memory_space<vmem>>, %arg14: memref<3x32x128xf32, #tpu.memory_space<vmem>>) attributes {dimension_semantics = [#tpu.dimension_semantics<core_parallel>, #tpu.dimension_semantics<subcore_parallel>], iteration_bounds = array<i64: 2, 16>, scalar_prefetch = 0 : i64, scratch_operands = 8 : i64, tpu.core_type = #tpu.core_type<sc_vector_subcore>, window_params = [{transform_indices = #map}, {transform_indices = #map1}, {transform_indices = #map}, {transform_indices = #map1}, {transform_indices = #map}]} {
    %mul3A = arith.constant 2 : i32
    %mul3A_0 = arith.muli %arg1, %mul3A : i32
    %add3A = arith.addi %mul3A_0, %arg0 : i32
    %jit3A = arith.constant 8 : i32
    %div3A = arith.divsi %add3A, %jit3A : i32
    %sign3A = arith.constant 0 : i32
    %sign3A_1 = arith.cmpi sgt, %add3A, %sign3A : i32
    %sign3A_2 = arith.extui %sign3A_1 : i1 to i32
    %sign3A_3 = arith.constant 0 : i32
    %sign3A_4 = arith.cmpi slt, %add3A, %sign3A_3 : i32
    %sign3A_5 = arith.extui %sign3A_4 : i1 to i32
    %sign3A_6 = arith.subi %sign3A_2, %sign3A_5 : i32
    %sign3A_7 = arith.constant 0 : i32
    %sign3A_8 = arith.cmpi sgt, %jit3A, %sign3A_7 : i32
    %sign3A_9 = arith.extui %sign3A_8 : i1 to i32
    %sign3A_10 = arith.constant 0 : i32
    %sign3A_11 = arith.cmpi slt, %jit3A, %sign3A_10 : i32
    %sign3A_12 = arith.extui %sign3A_11 : i1 to i32
    %sign3A_13 = arith.subi %sign3A_9, %sign3A_12 : i32
    %ne3A = arith.cmpi ne, %sign3A_6, %sign3A_13 : i32
    %rem3A = arith.remsi %add3A, %jit3A : i32
    %ne3A_14 = arith.constant 0 : i32
    %ne3A_15 = arith.cmpi ne, %rem3A, %ne3A_14 : i32
    %and3A = arith.andi %ne3A, %ne3A_15 : i1
    %sub3A = arith.constant 1 : i32
    %sub3A_16 = arith.subi %div3A, %sub3A : i32
    %select_n3A = arith.select %and3A, %sub3A_16, %div3A : i32
    %jit3A_17 = arith.constant 8 : i32
    %eq3A = arith.constant 0 : i32
    %eq3A_18 = arith.cmpi eq, %jit3A_17, %eq3A : i32
    %jit3A_19 = arith.constant 1 : i32
    %select_n3A_20 = arith.select %eq3A_18, %jit3A_19, %jit3A_17 : i32
    %rem3A_21 = arith.remsi %add3A, %select_n3A_20 : i32
    %ne3A_22 = arith.constant 0 : i32
    %ne3A_23 = arith.cmpi ne, %rem3A_21, %ne3A_22 : i32
    %lt3A = arith.constant 0 : i32
    %lt3A_24 = arith.cmpi slt, %rem3A_21, %lt3A : i32
    %lt3A_25 = arith.constant 0 : i32
    %lt3A_26 = arith.cmpi slt, %select_n3A_20, %lt3A_25 : i32
    %ne3A_27 = arith.xori %lt3A_24, %lt3A_26 : i1
    %and3A_28 = arith.andi %ne3A_27, %ne3A_23 : i1
    %add3A_29 = arith.addi %rem3A_21, %select_n3A_20 : i32
    %select_n3A_30 = arith.select %and3A_28, %add3A_29, %rem3A_21 : i32
    %mul3A_31 = arith.constant 128 : i32
    %mul3A_32 = arith.muli %select_n3A_30, %mul3A_31 : i32
    %mul3A_33 = arith.constant 512 : i32
    %mul3A_34 = arith.muli %select_n3A, %mul3A_33 : i32
    "tpu.region"() ({
      %run_scoped3A_89 = tpu.sem_alloc : memref<!tpu.dma_semaphore, #tpu.memory_space<semaphore_mem>>
      %dma_start3A = tpu.memref_slice %arg2[%mul3A_34, %mul3A_32] : memref<2048x1024xi32, #tpu.memory_space<hbm>> -> memref<512x128xi32, #tpu.memory_space<hbm>>
      %dma_start3A_90 = tpu.memref_slice %arg2[%mul3A_34, %mul3A_32] : memref<2048x1024xi32, #tpu.memory_space<hbm>> -> memref<512x128xi32, #tpu.memory_space<hbm>>
      tpu.enqueue_dma source(%dma_start3A_90 : memref<512x128xi32, #tpu.memory_space<hbm>>) target(%arg7 : memref<512x128xi32, #tpu.memory_space<vmem>>) target_semaphore(%run_scoped3A_89 : memref<!tpu.dma_semaphore, #tpu.memory_space<semaphore_mem>>)
      %dma_wait3A = tpu.memref_slice %arg2[%mul3A_34, %mul3A_32] : memref<2048x1024xi32, #tpu.memory_space<hbm>> -> memref<512x128xi32, #tpu.memory_space<hbm>>
      %dma_wait3A_91 = tpu.memref_slice %arg2[%mul3A_34, %mul3A_32] : memref<2048x1024xi32, #tpu.memory_space<hbm>> -> memref<512x128xi32, #tpu.memory_space<hbm>>
      tpu.wait_dma2 semaphore(%run_scoped3A_89 : memref<!tpu.dma_semaphore, #tpu.memory_space<semaphore_mem>>) src(%dma_wait3A_91 : memref<512x128xi32, #tpu.memory_space<hbm>>) dst(%arg7 : memref<512x128xi32, #tpu.memory_space<vmem>>)
      tpu.yield
    }) : () -> ()
    %mul3A_35 = arith.constant 3 : i32
    %mul3A_36 = arith.muli %select_n3A, %mul3A_35 : i32
    %add3A_37 = arith.constant 0 : i32
    %add3A_38 = arith.addi %mul3A_36, %add3A_37 : i32
    %mul3A_39 = arith.constant 8192 : i32
    %mul3A_40 = arith.muli %add3A_38, %mul3A_39 : i32
    "tpu.region"() ({
      %run_scoped3A_89 = tpu.sem_alloc : memref<!tpu.dma_semaphore, #tpu.memory_space<semaphore_mem>>
      %dma_start3A = tpu.memref_slice %arg3[%mul3A_40] : memref<98304xf32, #tpu.memory_space<hbm>> -> memref<8192xf32, #tpu.memory_space<hbm>>
      %dma_start3A_90 = tpu.memref_slice %arg3[%mul3A_40] : memref<98304xf32, #tpu.memory_space<hbm>> -> memref<8192xf32, #tpu.memory_space<hbm>>
      tpu.enqueue_dma source(%dma_start3A_90 : memref<8192xf32, #tpu.memory_space<hbm>>) target(%arg8 : memref<8192xf32, #tpu.memory_space<vmem>>) target_semaphore(%run_scoped3A_89 : memref<!tpu.dma_semaphore, #tpu.memory_space<semaphore_mem>>)
      %dma_wait3A = tpu.memref_slice %arg3[%mul3A_40] : memref<98304xf32, #tpu.memory_space<hbm>> -> memref<8192xf32, #tpu.memory_space<hbm>>
      %dma_wait3A_91 = tpu.memref_slice %arg3[%mul3A_40] : memref<98304xf32, #tpu.memory_space<hbm>> -> memref<8192xf32, #tpu.memory_space<hbm>>
      tpu.wait_dma2 semaphore(%run_scoped3A_89 : memref<!tpu.dma_semaphore, #tpu.memory_space<semaphore_mem>>) src(%dma_wait3A_91 : memref<8192xf32, #tpu.memory_space<hbm>>) dst(%arg8 : memref<8192xf32, #tpu.memory_space<vmem>>)
      tpu.yield
    }) : () -> ()
    %mul3A_41 = arith.constant 3 : i32
    %mul3A_42 = arith.muli %select_n3A, %mul3A_41 : i32
    %add3A_43 = arith.constant 1 : i32
    %add3A_44 = arith.addi %mul3A_42, %add3A_43 : i32
    %mul3A_45 = arith.constant 8192 : i32
    %mul3A_46 = arith.muli %add3A_44, %mul3A_45 : i32
    "tpu.region"() ({
      %run_scoped3A_89 = tpu.sem_alloc : memref<!tpu.dma_semaphore, #tpu.memory_space<semaphore_mem>>
      %dma_start3A = tpu.memref_slice %arg3[%mul3A_46] : memref<98304xf32, #tpu.memory_space<hbm>> -> memref<8192xf32, #tpu.memory_space<hbm>>
      %dma_start3A_90 = tpu.memref_slice %arg3[%mul3A_46] : memref<98304xf32, #tpu.memory_space<hbm>> -> memref<8192xf32, #tpu.memory_space<hbm>>
      tpu.enqueue_dma source(%dma_start3A_90 : memref<8192xf32, #tpu.memory_space<hbm>>) target(%arg9 : memref<8192xf32, #tpu.memory_space<vmem>>) target_semaphore(%run_scoped3A_89 : memref<!tpu.dma_semaphore, #tpu.memory_space<semaphore_mem>>)
      %dma_wait3A = tpu.memref_slice %arg3[%mul3A_46] : memref<98304xf32, #tpu.memory_space<hbm>> -> memref<8192xf32, #tpu.memory_space<hbm>>
      %dma_wait3A_91 = tpu.memref_slice %arg3[%mul3A_46] : memref<98304xf32, #tpu.memory_space<hbm>> -> memref<8192xf32, #tpu.memory_space<hbm>>
      tpu.wait_dma2 semaphore(%run_scoped3A_89 : memref<!tpu.dma_semaphore, #tpu.memory_space<semaphore_mem>>) src(%dma_wait3A_91 : memref<8192xf32, #tpu.memory_space<hbm>>) dst(%arg9 : memref<8192xf32, #tpu.memory_space<vmem>>)
      tpu.yield
    }) : () -> ()
    %mul3A_47 = arith.constant 3 : i32
    %mul3A_48 = arith.muli %select_n3A, %mul3A_47 : i32
    %add3A_49 = arith.constant 2 : i32
    %add3A_50 = arith.addi %mul3A_48, %add3A_49 : i32
    %mul3A_51 = arith.constant 8192 : i32
    %mul3A_52 = arith.muli %add3A_50, %mul3A_51 : i32
    "tpu.region"() ({
      %run_scoped3A_89 = tpu.sem_alloc : memref<!tpu.dma_semaphore, #tpu.memory_space<semaphore_mem>>
      %dma_start3A = tpu.memref_slice %arg3[%mul3A_52] : memref<98304xf32, #tpu.memory_space<hbm>> -> memref<8192xf32, #tpu.memory_space<hbm>>
      %dma_start3A_90 = tpu.memref_slice %arg3[%mul3A_52] : memref<98304xf32, #tpu.memory_space<hbm>> -> memref<8192xf32, #tpu.memory_space<hbm>>
      tpu.enqueue_dma source(%dma_start3A_90 : memref<8192xf32, #tpu.memory_space<hbm>>) target(%arg10 : memref<8192xf32, #tpu.memory_space<vmem>>) target_semaphore(%run_scoped3A_89 : memref<!tpu.dma_semaphore, #tpu.memory_space<semaphore_mem>>)
      %dma_wait3A = tpu.memref_slice %arg3[%mul3A_52] : memref<98304xf32, #tpu.memory_space<hbm>> -> memref<8192xf32, #tpu.memory_space<hbm>>
      %dma_wait3A_91 = tpu.memref_slice %arg3[%mul3A_52] : memref<98304xf32, #tpu.memory_space<hbm>> -> memref<8192xf32, #tpu.memory_space<hbm>>
      tpu.wait_dma2 semaphore(%run_scoped3A_89 : memref<!tpu.dma_semaphore, #tpu.memory_space<semaphore_mem>>) src(%dma_wait3A_91 : memref<8192xf32, #tpu.memory_space<hbm>>) dst(%arg10 : memref<8192xf32, #tpu.memory_space<vmem>>)
      tpu.yield
    }) : () -> ()
    %mul3A_53 = arith.constant 1024 : i32
    %mul3A_54 = arith.muli %select_n3A, %mul3A_53 : i32
    %add3A_55 = arith.addi %mul3A_54, %mul3A_32 : i32
    "tpu.region"() ({
      %run_scoped3A_89 = tpu.sem_alloc : memref<!tpu.dma_semaphore, #tpu.memory_space<semaphore_mem>>
      %dma_start3A = arith.constant 0 : i32
      %dma_start3A_90 = tpu.memref_slice %arg4[%dma_start3A, %add3A_55] : memref<3x4096xf32, #tpu.memory_space<hbm>> -> memref<3x128xf32, #tpu.memory_space<hbm>>
      %dma_start3A_91 = arith.constant 0 : i32
      %dma_start3A_92 = tpu.memref_slice %arg4[%dma_start3A_91, %add3A_55] : memref<3x4096xf32, #tpu.memory_space<hbm>> -> memref<3x128xf32, #tpu.memory_space<hbm>>
      tpu.enqueue_dma source(%dma_start3A_92 : memref<3x128xf32, #tpu.memory_space<hbm>>) target(%arg11 : memref<3x128xf32, #tpu.memory_space<vmem>>) target_semaphore(%run_scoped3A_89 : memref<!tpu.dma_semaphore, #tpu.memory_space<semaphore_mem>>)
      %dma_wait3A = arith.constant 0 : i32
      %dma_wait3A_93 = tpu.memref_slice %arg4[%dma_wait3A, %add3A_55] : memref<3x4096xf32, #tpu.memory_space<hbm>> -> memref<3x128xf32, #tpu.memory_space<hbm>>
      %dma_wait3A_94 = arith.constant 0 : i32
      %dma_wait3A_95 = tpu.memref_slice %arg4[%dma_wait3A_94, %add3A_55] : memref<3x4096xf32, #tpu.memory_space<hbm>> -> memref<3x128xf32, #tpu.memory_space<hbm>>
      tpu.wait_dma2 semaphore(%run_scoped3A_89 : memref<!tpu.dma_semaphore, #tpu.memory_space<semaphore_mem>>) src(%dma_wait3A_95 : memref<3x128xf32, #tpu.memory_space<hbm>>) dst(%arg11 : memref<3x128xf32, #tpu.memory_space<vmem>>)
      tpu.yield
    }) : () -> ()
    %iota3A = tpu.iota {dimensions = array<i32: 0>} : vector<16xi32>
    %broadcast_in_dim3A = arith.constant 0 : i32
    %broadcast_in_dim3A_56 = vector.broadcast %broadcast_in_dim3A : i32 to vector<16xi32>
    %scan3A = arith.constant 0 : i32
    %scan3A_57 = arith.constant 0 : i32
    %scan3A_58 = arith.constant 128 : i32
    %scan3A_59 = arith.addi %scan3A_57, %scan3A_58 : i32
    %scan3A_60 = arith.constant 1 : i32
    scf.for %scan3A_89 = %scan3A_57 to %scan3A_59 step %scan3A_60  : i32 {
      %broadcast_in_dim3A_90 = vector.broadcast %scan3A_89 : i32 to vector<16xi32>
      %gather3A = tpu.vector_load_idx %arg11[%broadcast_in_dim3A_56, %broadcast_in_dim3A_90] : memref<3x128xf32, #tpu.memory_space<vmem>>[vector<16xi32>, vector<16xi32>], vector<16xf32>,
      %add3A_91 = arith.constant 1 : i32
      %add3A_92 = vector.broadcast %add3A_91 : i32 to vector<16xi32>
      %add3A_93 = arith.addi %broadcast_in_dim3A_56, %add3A_92 : vector<16xi32>
      %gather3A_94 = tpu.vector_load_idx %arg11[%add3A_93, %broadcast_in_dim3A_90] : memref<3x128xf32, #tpu.memory_space<vmem>>[vector<16xi32>, vector<16xi32>], vector<16xf32>,
      %add3A_95 = arith.constant 2 : i32
      %add3A_96 = vector.broadcast %add3A_95 : i32 to vector<16xi32>
      %add3A_97 = arith.addi %broadcast_in_dim3A_56, %add3A_96 : vector<16xi32>
      %gather3A_98 = tpu.vector_load_idx %arg11[%add3A_97, %broadcast_in_dim3A_90] : memref<3x128xf32, #tpu.memory_space<vmem>>[vector<16xi32>, vector<16xi32>], vector<16xf32>,
      %while3A = arith.constant 0 : i32
      %while3A_99:2 = scf.while (%while3A_165 = %while3A, %while3A_166 = %broadcast_in_dim3A_56) : (i32, vector<16xi32>) -> (i32, vector<16xi32>) {
        %lt3A_167 = arith.constant 32 : i32
        %lt3A_168 = arith.cmpi slt, %while3A_165, %lt3A_167 : i32
        %reduce_max3A_169 = arith.constant true
        %reduce_max3A_170 = vector.broadcast %reduce_max3A_169 : i1 to vector<16xi1>
        %reduce_max3A_171 = arith.constant -2147483648 : i32
        %reduce_max3A_172 = vector.broadcast %reduce_max3A_171 : i32 to vector<16xi32>
        %reduce_max3A_173 = arith.xori %while3A_166, %reduce_max3A_172 : vector<16xi32>
        %reduce_max3A_174 = tpu.scan <max>, %reduce_max3A_173 masked %reduce_max3A_170 : vector<16xi32>, vector<16xi1> -> vector<16xi32>
        %reduce_max3A_175 = arith.xori %reduce_max3A_174, %reduce_max3A_172 : vector<16xi32>
        %reduce_max3A_176 = vector.extract %reduce_max3A_175[15] : i32 from vector<16xi32>
        %lt3A_177 = arith.constant 32 : i32
        %lt3A_178 = arith.cmpi slt, %reduce_max3A_176, %lt3A_177 : i32
        %and3A_179 = arith.andi %lt3A_168, %lt3A_178 : i1
        scf.condition(%and3A_179) %while3A_165, %while3A_166 : i32, vector<16xi32>
      } do {
      ^bb0(%while3A_165: i32, %while3A_166: vector<16xi32>):
        %mul3A_167 = arith.constant 16 : i32
        %mul3A_168 = arith.muli %while3A_165, %mul3A_167 : i32
        %add3A_169 = vector.broadcast %mul3A_168 : i32 to vector<16xi32>
        %add3A_170 = arith.addi %add3A_169, %iota3A : vector<16xi32>
        %gather3A_171 = tpu.vector_load_idx %arg7[%add3A_170, %broadcast_in_dim3A_90] : memref<512x128xi32, #tpu.memory_space<vmem>>[vector<16xi32>, vector<16xi32>], vector<16xi32>,
        %mul3A_172 = arith.constant 16 : i32
        %mul3A_173 = arith.muli %while3A_165, %mul3A_172 : i32
        %add3A_174 = arith.constant 0 : i32
        %add3A_175 = arith.addi %mul3A_173, %add3A_174 : i32
        %slice3A = vector.extract_strided_slice %gather3A_171 {offsets = [0], sizes = [1], strides = [1]} : vector<16xi32> to vector<1xi32>
        %squeeze3A = vector.extract %slice3A[0] : i32 from vector<1xi32>
        %broadcast_in_dim3A_176 = vector.broadcast %squeeze3A : i32 to vector<16xi32>
        %shift_right_logical3A = arith.shrui %broadcast_in_dim3A_176, %iota3A : vector<16xi32>
        %and3A_177 = arith.constant 1 : i32
        %and3A_178 = vector.broadcast %and3A_177 : i32 to vector<16xi32>
        %and3A_179 = arith.andi %shift_right_logical3A, %and3A_178 : vector<16xi32>
        %eq3A_180 = arith.constant 1 : i32
        %eq3A_181 = vector.broadcast %eq3A_180 : i32 to vector<16xi32>
        %eq3A_182 = arith.cmpi eq, %and3A_179, %eq3A_181 : vector<16xi32>
        %broadcast_in_dim3A_183 = arith.constant true
        %broadcast_in_dim3A_184 = vector.broadcast %broadcast_in_dim3A_183 : i1 to vector<16xi1>
        %masked_cumsum3A = tpu.scan <sum>, %and3A_179 masked %broadcast_in_dim3A_184 : vector<16xi32>, vector<16xi1> -> vector<16xi32>
        %add3A_185 = arith.addi %while3A_166, %masked_cumsum3A : vector<16xi32>
        %sub3A_186 = arith.constant 1 : i32
        %sub3A_187 = vector.broadcast %sub3A_186 : i32 to vector<16xi32>
        %sub3A_188 = arith.subi %add3A_185, %sub3A_187 : vector<16xi32>
        %mul3A_189 = arith.constant 16 : i32
        %mul3A_190 = arith.muli %add3A_175, %mul3A_189 : i32
        %add3A_191 = vector.broadcast %mul3A_190 : i32 to vector<16xi32>
        %add3A_192 = arith.addi %add3A_191, %iota3A : vector<16xi32>
        tpu.vector_store_idx %arg12[%sub3A_188], %add3A_192 masked %eq3A_182 : memref<320xi32, #tpu.memory_space<vmem>>[vector<16xi32>], vector<16xi32>, vector<16xi1>
        %all_reduce_population_count3A = tpu.all_reduce %eq3A_182 {dim = 0 : i64, kind = #tpu.reduction_kind<sum>} : vector<16xi1> -> vector<16xi32>
        %add3A_193 = arith.addi %while3A_166, %all_reduce_population_count3A : vector<16xi32>
        %mul3A_194 = arith.constant 16 : i32
        %mul3A_195 = arith.muli %while3A_165, %mul3A_194 : i32
        %add3A_196 = arith.constant 1 : i32
        %add3A_197 = arith.addi %mul3A_195, %add3A_196 : i32
        %slice3A_198 = vector.extract_strided_slice %gather3A_171 {offsets = [1], sizes = [1], strides = [1]} : vector<16xi32> to vector<1xi32>
        %squeeze3A_199 = vector.extract %slice3A_198[0] : i32 from vector<1xi32>
        %broadcast_in_dim3A_200 = vector.broadcast %squeeze3A_199 : i32 to vector<16xi32>
        %shift_right_logical3A_201 = arith.shrui %broadcast_in_dim3A_200, %iota3A : vector<16xi32>
        %and3A_202 = arith.constant 1 : i32
        %and3A_203 = vector.broadcast %and3A_202 : i32 to vector<16xi32>
        %and3A_204 = arith.andi %shift_right_logical3A_201, %and3A_203 : vector<16xi32>
        %eq3A_205 = arith.constant 1 : i32
        %eq3A_206 = vector.broadcast %eq3A_205 : i32 to vector<16xi32>
        %eq3A_207 = arith.cmpi eq, %and3A_204, %eq3A_206 : vector<16xi32>
        %broadcast_in_dim3A_208 = arith.constant true
        %broadcast_in_dim3A_209 = vector.broadcast %broadcast_in_dim3A_208 : i1 to vector<16xi1>
        %masked_cumsum3A_210 = tpu.scan <sum>, %and3A_204 masked %broadcast_in_dim3A_209 : vector<16xi32>, vector<16xi1> -> vector<16xi32>
        %add3A_211 = arith.addi %add3A_193, %masked_cumsum3A_210 : vector<16xi32>
        %sub3A_212 = arith.constant 1 : i32
        %sub3A_213 = vector.broadcast %sub3A_212 : i32 to vector<16xi32>
        %sub3A_214 = arith.subi %add3A_211, %sub3A_213 : vector<16xi32>
        %mul3A_215 = arith.constant 16 : i32
        %mul3A_216 = arith.muli %add3A_197, %mul3A_215 : i32
        %add3A_217 = vector.broadcast %mul3A_216 : i32 to vector<16xi32>
        %add3A_218 = arith.addi %add3A_217, %iota3A : vector<16xi32>
        tpu.vector_store_idx %arg12[%sub3A_214], %add3A_218 masked %eq3A_207 : memref<320xi32, #tpu.memory_space<vmem>>[vector<16xi32>], vector<16xi32>, vector<16xi1>
        %all_reduce_population_count3A_219 = tpu.all_reduce %eq3A_207 {dim = 0 : i64, kind = #tpu.reduction_kind<sum>} : vector<16xi1> -> vector<16xi32>
        %add3A_220 = arith.addi %add3A_193, %all_reduce_population_count3A_219 : vector<16xi32>
        %mul3A_221 = arith.constant 16 : i32
        %mul3A_222 = arith.muli %while3A_165, %mul3A_221 : i32
        %add3A_223 = arith.constant 2 : i32
        %add3A_224 = arith.addi %mul3A_222, %add3A_223 : i32
        %slice3A_225 = vector.extract_strided_slice %gather3A_171 {offsets = [2], sizes = [1], strides = [1]} : vector<16xi32> to vector<1xi32>
        %squeeze3A_226 = vector.extract %slice3A_225[0] : i32 from vector<1xi32>
        %broadcast_in_dim3A_227 = vector.broadcast %squeeze3A_226 : i32 to vector<16xi32>
        %shift_right_logical3A_228 = arith.shrui %broadcast_in_dim3A_227, %iota3A : vector<16xi32>
        %and3A_229 = arith.constant 1 : i32
        %and3A_230 = vector.broadcast %and3A_229 : i32 to vector<16xi32>
        %and3A_231 = arith.andi %shift_right_logical3A_228, %and3A_230 : vector<16xi32>
        %eq3A_232 = arith.constant 1 : i32
        %eq3A_233 = vector.broadcast %eq3A_232 : i32 to vector<16xi32>
        %eq3A_234 = arith.cmpi eq, %and3A_231, %eq3A_233 : vector<16xi32>
        %broadcast_in_dim3A_235 = arith.constant true
        %broadcast_in_dim3A_236 = vector.broadcast %broadcast_in_dim3A_235 : i1 to vector<16xi1>
        %masked_cumsum3A_237 = tpu.scan <sum>, %and3A_231 masked %broadcast_in_dim3A_236 : vector<16xi32>, vector<16xi1> -> vector<16xi32>
        %add3A_238 = arith.addi %add3A_220, %masked_cumsum3A_237 : vector<16xi32>
        %sub3A_239 = arith.constant 1 : i32
        %sub3A_240 = vector.broadcast %sub3A_239 : i32 to vector<16xi32>
        %sub3A_241 = arith.subi %add3A_238, %sub3A_240 : vector<16xi32>
        %mul3A_242 = arith.constant 16 : i32
        %mul3A_243 = arith.muli %add3A_224, %mul3A_242 : i32
        %add3A_244 = vector.broadcast %mul3A_243 : i32 to vector<16xi32>
        %add3A_245 = arith.addi %add3A_244, %iota3A : vector<16xi32>
        tpu.vector_store_idx %arg12[%sub3A_241], %add3A_245 masked %eq3A_234 : memref<320xi32, #tpu.memory_space<vmem>>[vector<16xi32>], vector<16xi32>, vector<16xi1>
        %all_reduce_population_count3A_246 = tpu.all_reduce %eq3A_234 {dim = 0 : i64, kind = #tpu.reduction_kind<sum>} : vector<16xi1> -> vector<16xi32>
        %add3A_247 = arith.addi %add3A_220, %all_reduce_population_count3A_246 : vector<16xi32>
        %mul3A_248 = arith.constant 16 : i32
        %mul3A_249 = arith.muli %while3A_165, %mul3A_248 : i32
        %add3A_250 = arith.constant 3 : i32
        %add3A_251 = arith.addi %mul3A_249, %add3A_250 : i32
        %slice3A_252 = vector.extract_strided_slice %gather3A_171 {offsets = [3], sizes = [1], strides = [1]} : vector<16xi32> to vector<1xi32>
        %squeeze3A_253 = vector.extract %slice3A_252[0] : i32 from vector<1xi32>
        %broadcast_in_dim3A_254 = vector.broadcast %squeeze3A_253 : i32 to vector<16xi32>
        %shift_right_logical3A_255 = arith.shrui %broadcast_in_dim3A_254, %iota3A : vector<16xi32>
        %and3A_256 = arith.constant 1 : i32
        %and3A_257 = vector.broadcast %and3A_256 : i32 to vector<16xi32>
        %and3A_258 = arith.andi %shift_right_logical3A_255, %and3A_257 : vector<16xi32>
        %eq3A_259 = arith.constant 1 : i32
        %eq3A_260 = vector.broadcast %eq3A_259 : i32 to vector<16xi32>
        %eq3A_261 = arith.cmpi eq, %and3A_258, %eq3A_260 : vector<16xi32>
        %broadcast_in_dim3A_262 = arith.constant true
        %broadcast_in_dim3A_263 = vector.broadcast %broadcast_in_dim3A_262 : i1 to vector<16xi1>
        %masked_cumsum3A_264 = tpu.scan <sum>, %and3A_258 masked %broadcast_in_dim3A_263 : vector<16xi32>, vector<16xi1> -> vector<16xi32>
        %add3A_265 = arith.addi %add3A_247, %masked_cumsum3A_264 : vector<16xi32>
        %sub3A_266 = arith.constant 1 : i32
        %sub3A_267 = vector.broadcast %sub3A_266 : i32 to vector<16xi32>
        %sub3A_268 = arith.subi %add3A_265, %sub3A_267 : vector<16xi32>
        %mul3A_269 = arith.constant 16 : i32
        %mul3A_270 = arith.muli %add3A_251, %mul3A_269 : i32
        %add3A_271 = vector.broadcast %mul3A_270 : i32 to vector<16xi32>
        %add3A_272 = arith.addi %add3A_271, %iota3A : vector<16xi32>
        tpu.vector_store_idx %arg12[%sub3A_268], %add3A_272 masked %eq3A_261 : memref<320xi32, #tpu.memory_space<vmem>>[vector<16xi32>], vector<16xi32>, vector<16xi1>
        %all_reduce_population_count3A_273 = tpu.all_reduce %eq3A_261 {dim = 0 : i64, kind = #tpu.reduction_kind<sum>} : vector<16xi1> -> vector<16xi32>
        %add3A_274 = arith.addi %add3A_247, %all_reduce_population_count3A_273 : vector<16xi32>
        %mul3A_275 = arith.constant 16 : i32
        %mul3A_276 = arith.muli %while3A_165, %mul3A_275 : i32
        %add3A_277 = arith.constant 4 : i32
        %add3A_278 = arith.addi %mul3A_276, %add3A_277 : i32
        %slice3A_279 = vector.extract_strided_slice %gather3A_171 {offsets = [4], sizes = [1], strides = [1]} : vector<16xi32> to vector<1xi32>
        %squeeze3A_280 = vector.extract %slice3A_279[0] : i32 from vector<1xi32>
        %broadcast_in_dim3A_281 = vector.broadcast %squeeze3A_280 : i32 to vector<16xi32>
        %shift_right_logical3A_282 = arith.shrui %broadcast_in_dim3A_281, %iota3A : vector<16xi32>
        %and3A_283 = arith.constant 1 : i32
        %and3A_284 = vector.broadcast %and3A_283 : i32 to vector<16xi32>
        %and3A_285 = arith.andi %shift_right_logical3A_282, %and3A_284 : vector<16xi32>
        %eq3A_286 = arith.constant 1 : i32
        %eq3A_287 = vector.broadcast %eq3A_286 : i32 to vector<16xi32>
        %eq3A_288 = arith.cmpi eq, %and3A_285, %eq3A_287 : vector<16xi32>
        %broadcast_in_dim3A_289 = arith.constant true
        %broadcast_in_dim3A_290 = vector.broadcast %broadcast_in_dim3A_289 : i1 to vector<16xi1>
        %masked_cumsum3A_291 = tpu.scan <sum>, %and3A_285 masked %broadcast_in_dim3A_290 : vector<16xi32>, vector<16xi1> -> vector<16xi32>
        %add3A_292 = arith.addi %add3A_274, %masked_cumsum3A_291 : vector<16xi32>
        %sub3A_293 = arith.constant 1 : i32
        %sub3A_294 = vector.broadcast %sub3A_293 : i32 to vector<16xi32>
        %sub3A_295 = arith.subi %add3A_292, %sub3A_294 : vector<16xi32>
        %mul3A_296 = arith.constant 16 : i32
        %mul3A_297 = arith.muli %add3A_278, %mul3A_296 : i32
        %add3A_298 = vector.broadcast %mul3A_297 : i32 to vector<16xi32>
        %add3A_299 = arith.addi %add3A_298, %iota3A : vector<16xi32>
        tpu.vector_store_idx %arg12[%sub3A_295], %add3A_299 masked %eq3A_288 : memref<320xi32, #tpu.memory_space<vmem>>[vector<16xi32>], vector<16xi32>, vector<16xi1>
        %all_reduce_population_count3A_300 = tpu.all_reduce %eq3A_288 {dim = 0 : i64, kind = #tpu.reduction_kind<sum>} : vector<16xi1> -> vector<16xi32>
        %add3A_301 = arith.addi %add3A_274, %all_reduce_population_count3A_300 : vector<16xi32>
        %mul3A_302 = arith.constant 16 : i32
        %mul3A_303 = arith.muli %while3A_165, %mul3A_302 : i32
        %add3A_304 = arith.constant 5 : i32
        %add3A_305 = arith.addi %mul3A_303, %add3A_304 : i32
        %slice3A_306 = vector.extract_strided_slice %gather3A_171 {offsets = [5], sizes = [1], strides = [1]} : vector<16xi32> to vector<1xi32>
        %squeeze3A_307 = vector.extract %slice3A_306[0] : i32 from vector<1xi32>
        %broadcast_in_dim3A_308 = vector.broadcast %squeeze3A_307 : i32 to vector<16xi32>
        %shift_right_logical3A_309 = arith.shrui %broadcast_in_dim3A_308, %iota3A : vector<16xi32>
        %and3A_310 = arith.constant 1 : i32
        %and3A_311 = vector.broadcast %and3A_310 : i32 to vector<16xi32>
        %and3A_312 = arith.andi %shift_right_logical3A_309, %and3A_311 : vector<16xi32>
        %eq3A_313 = arith.constant 1 : i32
        %eq3A_314 = vector.broadcast %eq3A_313 : i32 to vector<16xi32>
        %eq3A_315 = arith.cmpi eq, %and3A_312, %eq3A_314 : vector<16xi32>
        %broadcast_in_dim3A_316 = arith.constant true
        %broadcast_in_dim3A_317 = vector.broadcast %broadcast_in_dim3A_316 : i1 to vector<16xi1>
        %masked_cumsum3A_318 = tpu.scan <sum>, %and3A_312 masked %broadcast_in_dim3A_317 : vector<16xi32>, vector<16xi1> -> vector<16xi32>
        %add3A_319 = arith.addi %add3A_301, %masked_cumsum3A_318 : vector<16xi32>
        %sub3A_320 = arith.constant 1 : i32
        %sub3A_321 = vector.broadcast %sub3A_320 : i32 to vector<16xi32>
        %sub3A_322 = arith.subi %add3A_319, %sub3A_321 : vector<16xi32>
        %mul3A_323 = arith.constant 16 : i32
        %mul3A_324 = arith.muli %add3A_305, %mul3A_323 : i32
        %add3A_325 = vector.broadcast %mul3A_324 : i32 to vector<16xi32>
        %add3A_326 = arith.addi %add3A_325, %iota3A : vector<16xi32>
        tpu.vector_store_idx %arg12[%sub3A_322], %add3A_326 masked %eq3A_315 : memref<320xi32, #tpu.memory_space<vmem>>[vector<16xi32>], vector<16xi32>, vector<16xi1>
        %all_reduce_population_count3A_327 = tpu.all_reduce %eq3A_315 {dim = 0 : i64, kind = #tpu.reduction_kind<sum>} : vector<16xi1> -> vector<16xi32>
        %add3A_328 = arith.addi %add3A_301, %all_reduce_population_count3A_327 : vector<16xi32>
        %mul3A_329 = arith.constant 16 : i32
        %mul3A_330 = arith.muli %while3A_165, %mul3A_329 : i32
        %add3A_331 = arith.constant 6 : i32
        %add3A_332 = arith.addi %mul3A_330, %add3A_331 : i32
        %slice3A_333 = vector.extract_strided_slice %gather3A_171 {offsets = [6], sizes = [1], strides = [1]} : vector<16xi32> to vector<1xi32>
        %squeeze3A_334 = vector.extract %slice3A_333[0] : i32 from vector<1xi32>
        %broadcast_in_dim3A_335 = vector.broadcast %squeeze3A_334 : i32 to vector<16xi32>
        %shift_right_logical3A_336 = arith.shrui %broadcast_in_dim3A_335, %iota3A : vector<16xi32>
        %and3A_337 = arith.constant 1 : i32
        %and3A_338 = vector.broadcast %and3A_337 : i32 to vector<16xi32>
        %and3A_339 = arith.andi %shift_right_logical3A_336, %and3A_338 : vector<16xi32>
        %eq3A_340 = arith.constant 1 : i32
        %eq3A_341 = vector.broadcast %eq3A_340 : i32 to vector<16xi32>
        %eq3A_342 = arith.cmpi eq, %and3A_339, %eq3A_341 : vector<16xi32>
        %broadcast_in_dim3A_343 = arith.constant true
        %broadcast_in_dim3A_344 = vector.broadcast %broadcast_in_dim3A_343 : i1 to vector<16xi1>
        %masked_cumsum3A_345 = tpu.scan <sum>, %and3A_339 masked %broadcast_in_dim3A_344 : vector<16xi32>, vector<16xi1> -> vector<16xi32>
        %add3A_346 = arith.addi %add3A_328, %masked_cumsum3A_345 : vector<16xi32>
        %sub3A_347 = arith.constant 1 : i32
        %sub3A_348 = vector.broadcast %sub3A_347 : i32 to vector<16xi32>
        %sub3A_349 = arith.subi %add3A_346, %sub3A_348 : vector<16xi32>
        %mul3A_350 = arith.constant 16 : i32
        %mul3A_351 = arith.muli %add3A_332, %mul3A_350 : i32
        %add3A_352 = vector.broadcast %mul3A_351 : i32 to vector<16xi32>
        %add3A_353 = arith.addi %add3A_352, %iota3A : vector<16xi32>
        tpu.vector_store_idx %arg12[%sub3A_349], %add3A_353 masked %eq3A_342 : memref<320xi32, #tpu.memory_space<vmem>>[vector<16xi32>], vector<16xi32>, vector<16xi1>
        %all_reduce_population_count3A_354 = tpu.all_reduce %eq3A_342 {dim = 0 : i64, kind = #tpu.reduction_kind<sum>} : vector<16xi1> -> vector<16xi32>
        %add3A_355 = arith.addi %add3A_328, %all_reduce_population_count3A_354 : vector<16xi32>
        %mul3A_356 = arith.constant 16 : i32
        %mul3A_357 = arith.muli %while3A_165, %mul3A_356 : i32
        %add3A_358 = arith.constant 7 : i32
        %add3A_359 = arith.addi %mul3A_357, %add3A_358 : i32
        %slice3A_360 = vector.extract_strided_slice %gather3A_171 {offsets = [7], sizes = [1], strides = [1]} : vector<16xi32> to vector<1xi32>
        %squeeze3A_361 = vector.extract %slice3A_360[0] : i32 from vector<1xi32>
        %broadcast_in_dim3A_362 = vector.broadcast %squeeze3A_361 : i32 to vector<16xi32>
        %shift_right_logical3A_363 = arith.shrui %broadcast_in_dim3A_362, %iota3A : vector<16xi32>
        %and3A_364 = arith.constant 1 : i32
        %and3A_365 = vector.broadcast %and3A_364 : i32 to vector<16xi32>
        %and3A_366 = arith.andi %shift_right_logical3A_363, %and3A_365 : vector<16xi32>
        %eq3A_367 = arith.constant 1 : i32
        %eq3A_368 = vector.broadcast %eq3A_367 : i32 to vector<16xi32>
        %eq3A_369 = arith.cmpi eq, %and3A_366, %eq3A_368 : vector<16xi32>
        %broadcast_in_dim3A_370 = arith.constant true
        %broadcast_in_dim3A_371 = vector.broadcast %broadcast_in_dim3A_370 : i1 to vector<16xi1>
        %masked_cumsum3A_372 = tpu.scan <sum>, %and3A_366 masked %broadcast_in_dim3A_371 : vector<16xi32>, vector<16xi1> -> vector<16xi32>
        %add3A_373 = arith.addi %add3A_355, %masked_cumsum3A_372 : vector<16xi32>
        %sub3A_374 = arith.constant 1 : i32
        %sub3A_375 = vector.broadcast %sub3A_374 : i32 to vector<16xi32>
        %sub3A_376 = arith.subi %add3A_373, %sub3A_375 : vector<16xi32>
        %mul3A_377 = arith.constant 16 : i32
        %mul3A_378 = arith.muli %add3A_359, %mul3A_377 : i32
        %add3A_379 = vector.broadcast %mul3A_378 : i32 to vector<16xi32>
        %add3A_380 = arith.addi %add3A_379, %iota3A : vector<16xi32>
        tpu.vector_store_idx %arg12[%sub3A_376], %add3A_380 masked %eq3A_369 : memref<320xi32, #tpu.memory_space<vmem>>[vector<16xi32>], vector<16xi32>, vector<16xi1>
        %all_reduce_population_count3A_381 = tpu.all_reduce %eq3A_369 {dim = 0 : i64, kind = #tpu.reduction_kind<sum>} : vector<16xi1> -> vector<16xi32>
        %add3A_382 = arith.addi %add3A_355, %all_reduce_population_count3A_381 : vector<16xi32>
        %mul3A_383 = arith.constant 16 : i32
        %mul3A_384 = arith.muli %while3A_165, %mul3A_383 : i32
        %add3A_385 = arith.constant 8 : i32
        %add3A_386 = arith.addi %mul3A_384, %add3A_385 : i32
        %slice3A_387 = vector.extract_strided_slice %gather3A_171 {offsets = [8], sizes = [1], strides = [1]} : vector<16xi32> to vector<1xi32>
        %squeeze3A_388 = vector.extract %slice3A_387[0] : i32 from vector<1xi32>
        %broadcast_in_dim3A_389 = vector.broadcast %squeeze3A_388 : i32 to vector<16xi32>
        %shift_right_logical3A_390 = arith.shrui %broadcast_in_dim3A_389, %iota3A : vector<16xi32>
        %and3A_391 = arith.constant 1 : i32
        %and3A_392 = vector.broadcast %and3A_391 : i32 to vector<16xi32>
        %and3A_393 = arith.andi %shift_right_logical3A_390, %and3A_392 : vector<16xi32>
        %eq3A_394 = arith.constant 1 : i32
        %eq3A_395 = vector.broadcast %eq3A_394 : i32 to vector<16xi32>
        %eq3A_396 = arith.cmpi eq, %and3A_393, %eq3A_395 : vector<16xi32>
        %broadcast_in_dim3A_397 = arith.constant true
        %broadcast_in_dim3A_398 = vector.broadcast %broadcast_in_dim3A_397 : i1 to vector<16xi1>
        %masked_cumsum3A_399 = tpu.scan <sum>, %and3A_393 masked %broadcast_in_dim3A_398 : vector<16xi32>, vector<16xi1> -> vector<16xi32>
        %add3A_400 = arith.addi %add3A_382, %masked_cumsum3A_399 : vector<16xi32>
        %sub3A_401 = arith.constant 1 : i32
        %sub3A_402 = vector.broadcast %sub3A_401 : i32 to vector<16xi32>
        %sub3A_403 = arith.subi %add3A_400, %sub3A_402 : vector<16xi32>
        %mul3A_404 = arith.constant 16 : i32
        %mul3A_405 = arith.muli %add3A_386, %mul3A_404 : i32
        %add3A_406 = vector.broadcast %mul3A_405 : i32 to vector<16xi32>
        %add3A_407 = arith.addi %add3A_406, %iota3A : vector<16xi32>
        tpu.vector_store_idx %arg12[%sub3A_403], %add3A_407 masked %eq3A_396 : memref<320xi32, #tpu.memory_space<vmem>>[vector<16xi32>], vector<16xi32>, vector<16xi1>
        %all_reduce_population_count3A_408 = tpu.all_reduce %eq3A_396 {dim = 0 : i64, kind = #tpu.reduction_kind<sum>} : vector<16xi1> -> vector<16xi32>
        %add3A_409 = arith.addi %add3A_382, %all_reduce_population_count3A_408 : vector<16xi32>
        %mul3A_410 = arith.constant 16 : i32
        %mul3A_411 = arith.muli %while3A_165, %mul3A_410 : i32
        %add3A_412 = arith.constant 9 : i32
        %add3A_413 = arith.addi %mul3A_411, %add3A_412 : i32
        %slice3A_414 = vector.extract_strided_slice %gather3A_171 {offsets = [9], sizes = [1], strides = [1]} : vector<16xi32> to vector<1xi32>
        %squeeze3A_415 = vector.extract %slice3A_414[0] : i32 from vector<1xi32>
        %broadcast_in_dim3A_416 = vector.broadcast %squeeze3A_415 : i32 to vector<16xi32>
        %shift_right_logical3A_417 = arith.shrui %broadcast_in_dim3A_416, %iota3A : vector<16xi32>
        %and3A_418 = arith.constant 1 : i32
        %and3A_419 = vector.broadcast %and3A_418 : i32 to vector<16xi32>
        %and3A_420 = arith.andi %shift_right_logical3A_417, %and3A_419 : vector<16xi32>
        %eq3A_421 = arith.constant 1 : i32
        %eq3A_422 = vector.broadcast %eq3A_421 : i32 to vector<16xi32>
        %eq3A_423 = arith.cmpi eq, %and3A_420, %eq3A_422 : vector<16xi32>
        %broadcast_in_dim3A_424 = arith.constant true
        %broadcast_in_dim3A_425 = vector.broadcast %broadcast_in_dim3A_424 : i1 to vector<16xi1>
        %masked_cumsum3A_426 = tpu.scan <sum>, %and3A_420 masked %broadcast_in_dim3A_425 : vector<16xi32>, vector<16xi1> -> vector<16xi32>
        %add3A_427 = arith.addi %add3A_409, %masked_cumsum3A_426 : vector<16xi32>
        %sub3A_428 = arith.constant 1 : i32
        %sub3A_429 = vector.broadcast %sub3A_428 : i32 to vector<16xi32>
        %sub3A_430 = arith.subi %add3A_427, %sub3A_429 : vector<16xi32>
        %mul3A_431 = arith.constant 16 : i32
        %mul3A_432 = arith.muli %add3A_413, %mul3A_431 : i32
        %add3A_433 = vector.broadcast %mul3A_432 : i32 to vector<16xi32>
        %add3A_434 = arith.addi %add3A_433, %iota3A : vector<16xi32>
        tpu.vector_store_idx %arg12[%sub3A_430], %add3A_434 masked %eq3A_423 : memref<320xi32, #tpu.memory_space<vmem>>[vector<16xi32>], vector<16xi32>, vector<16xi1>
        %all_reduce_population_count3A_435 = tpu.all_reduce %eq3A_423 {dim = 0 : i64, kind = #tpu.reduction_kind<sum>} : vector<16xi1> -> vector<16xi32>
        %add3A_436 = arith.addi %add3A_409, %all_reduce_population_count3A_435 : vector<16xi32>
        %mul3A_437 = arith.constant 16 : i32
        %mul3A_438 = arith.muli %while3A_165, %mul3A_437 : i32
        %add3A_439 = arith.constant 10 : i32
        %add3A_440 = arith.addi %mul3A_438, %add3A_439 : i32
        %slice3A_441 = vector.extract_strided_slice %gather3A_171 {offsets = [10], sizes = [1], strides = [1]} : vector<16xi32> to vector<1xi32>
        %squeeze3A_442 = vector.extract %slice3A_441[0] : i32 from vector<1xi32>
        %broadcast_in_dim3A_443 = vector.broadcast %squeeze3A_442 : i32 to vector<16xi32>
        %shift_right_logical3A_444 = arith.shrui %broadcast_in_dim3A_443, %iota3A : vector<16xi32>
        %and3A_445 = arith.constant 1 : i32
        %and3A_446 = vector.broadcast %and3A_445 : i32 to vector<16xi32>
        %and3A_447 = arith.andi %shift_right_logical3A_444, %and3A_446 : vector<16xi32>
        %eq3A_448 = arith.constant 1 : i32
        %eq3A_449 = vector.broadcast %eq3A_448 : i32 to vector<16xi32>
        %eq3A_450 = arith.cmpi eq, %and3A_447, %eq3A_449 : vector<16xi32>
        %broadcast_in_dim3A_451 = arith.constant true
        %broadcast_in_dim3A_452 = vector.broadcast %broadcast_in_dim3A_451 : i1 to vector<16xi1>
        %masked_cumsum3A_453 = tpu.scan <sum>, %and3A_447 masked %broadcast_in_dim3A_452 : vector<16xi32>, vector<16xi1> -> vector<16xi32>
        %add3A_454 = arith.addi %add3A_436, %masked_cumsum3A_453 : vector<16xi32>
        %sub3A_455 = arith.constant 1 : i32
        %sub3A_456 = vector.broadcast %sub3A_455 : i32 to vector<16xi32>
        %sub3A_457 = arith.subi %add3A_454, %sub3A_456 : vector<16xi32>
        %mul3A_458 = arith.constant 16 : i32
        %mul3A_459 = arith.muli %add3A_440, %mul3A_458 : i32
        %add3A_460 = vector.broadcast %mul3A_459 : i32 to vector<16xi32>
        %add3A_461 = arith.addi %add3A_460, %iota3A : vector<16xi32>
        tpu.vector_store_idx %arg12[%sub3A_457], %add3A_461 masked %eq3A_450 : memref<320xi32, #tpu.memory_space<vmem>>[vector<16xi32>], vector<16xi32>, vector<16xi1>
        %all_reduce_population_count3A_462 = tpu.all_reduce %eq3A_450 {dim = 0 : i64, kind = #tpu.reduction_kind<sum>} : vector<16xi1> -> vector<16xi32>
        %add3A_463 = arith.addi %add3A_436, %all_reduce_population_count3A_462 : vector<16xi32>
        %mul3A_464 = arith.constant 16 : i32
        %mul3A_465 = arith.muli %while3A_165, %mul3A_464 : i32
        %add3A_466 = arith.constant 11 : i32
        %add3A_467 = arith.addi %mul3A_465, %add3A_466 : i32
        %slice3A_468 = vector.extract_strided_slice %gather3A_171 {offsets = [11], sizes = [1], strides = [1]} : vector<16xi32> to vector<1xi32>
        %squeeze3A_469 = vector.extract %slice3A_468[0] : i32 from vector<1xi32>
        %broadcast_in_dim3A_470 = vector.broadcast %squeeze3A_469 : i32 to vector<16xi32>
        %shift_right_logical3A_471 = arith.shrui %broadcast_in_dim3A_470, %iota3A : vector<16xi32>
        %and3A_472 = arith.constant 1 : i32
        %and3A_473 = vector.broadcast %and3A_472 : i32 to vector<16xi32>
        %and3A_474 = arith.andi %shift_right_logical3A_471, %and3A_473 : vector<16xi32>
        %eq3A_475 = arith.constant 1 : i32
        %eq3A_476 = vector.broadcast %eq3A_475 : i32 to vector<16xi32>
        %eq3A_477 = arith.cmpi eq, %and3A_474, %eq3A_476 : vector<16xi32>
        %broadcast_in_dim3A_478 = arith.constant true
        %broadcast_in_dim3A_479 = vector.broadcast %broadcast_in_dim3A_478 : i1 to vector<16xi1>
        %masked_cumsum3A_480 = tpu.scan <sum>, %and3A_474 masked %broadcast_in_dim3A_479 : vector<16xi32>, vector<16xi1> -> vector<16xi32>
        %add3A_481 = arith.addi %add3A_463, %masked_cumsum3A_480 : vector<16xi32>
        %sub3A_482 = arith.constant 1 : i32
        %sub3A_483 = vector.broadcast %sub3A_482 : i32 to vector<16xi32>
        %sub3A_484 = arith.subi %add3A_481, %sub3A_483 : vector<16xi32>
        %mul3A_485 = arith.constant 16 : i32
        %mul3A_486 = arith.muli %add3A_467, %mul3A_485 : i32
        %add3A_487 = vector.broadcast %mul3A_486 : i32 to vector<16xi32>
        %add3A_488 = arith.addi %add3A_487, %iota3A : vector<16xi32>
        tpu.vector_store_idx %arg12[%sub3A_484], %add3A_488 masked %eq3A_477 : memref<320xi32, #tpu.memory_space<vmem>>[vector<16xi32>], vector<16xi32>, vector<16xi1>
        %all_reduce_population_count3A_489 = tpu.all_reduce %eq3A_477 {dim = 0 : i64, kind = #tpu.reduction_kind<sum>} : vector<16xi1> -> vector<16xi32>
        %add3A_490 = arith.addi %add3A_463, %all_reduce_population_count3A_489 : vector<16xi32>
        %mul3A_491 = arith.constant 16 : i32
        %mul3A_492 = arith.muli %while3A_165, %mul3A_491 : i32
        %add3A_493 = arith.constant 12 : i32
        %add3A_494 = arith.addi %mul3A_492, %add3A_493 : i32
        %slice3A_495 = vector.extract_strided_slice %gather3A_171 {offsets = [12], sizes = [1], strides = [1]} : vector<16xi32> to vector<1xi32>
        %squeeze3A_496 = vector.extract %slice3A_495[0] : i32 from vector<1xi32>
        %broadcast_in_dim3A_497 = vector.broadcast %squeeze3A_496 : i32 to vector<16xi32>
        %shift_right_logical3A_498 = arith.shrui %broadcast_in_dim3A_497, %iota3A : vector<16xi32>
        %and3A_499 = arith.constant 1 : i32
        %and3A_500 = vector.broadcast %and3A_499 : i32 to vector<16xi32>
        %and3A_501 = arith.andi %shift_right_logical3A_498, %and3A_500 : vector<16xi32>
        %eq3A_502 = arith.constant 1 : i32
        %eq3A_503 = vector.broadcast %eq3A_502 : i32 to vector<16xi32>
        %eq3A_504 = arith.cmpi eq, %and3A_501, %eq3A_503 : vector<16xi32>
        %broadcast_in_dim3A_505 = arith.constant true
        %broadcast_in_dim3A_506 = vector.broadcast %broadcast_in_dim3A_505 : i1 to vector<16xi1>
        %masked_cumsum3A_507 = tpu.scan <sum>, %and3A_501 masked %broadcast_in_dim3A_506 : vector<16xi32>, vector<16xi1> -> vector<16xi32>
        %add3A_508 = arith.addi %add3A_490, %masked_cumsum3A_507 : vector<16xi32>
        %sub3A_509 = arith.constant 1 : i32
        %sub3A_510 = vector.broadcast %sub3A_509 : i32 to vector<16xi32>
        %sub3A_511 = arith.subi %add3A_508, %sub3A_510 : vector<16xi32>
        %mul3A_512 = arith.constant 16 : i32
        %mul3A_513 = arith.muli %add3A_494, %mul3A_512 : i32
        %add3A_514 = vector.broadcast %mul3A_513 : i32 to vector<16xi32>
        %add3A_515 = arith.addi %add3A_514, %iota3A : vector<16xi32>
        tpu.vector_store_idx %arg12[%sub3A_511], %add3A_515 masked %eq3A_504 : memref<320xi32, #tpu.memory_space<vmem>>[vector<16xi32>], vector<16xi32>, vector<16xi1>
        %all_reduce_population_count3A_516 = tpu.all_reduce %eq3A_504 {dim = 0 : i64, kind = #tpu.reduction_kind<sum>} : vector<16xi1> -> vector<16xi32>
        %add3A_517 = arith.addi %add3A_490, %all_reduce_population_count3A_516 : vector<16xi32>
        %mul3A_518 = arith.constant 16 : i32
        %mul3A_519 = arith.muli %while3A_165, %mul3A_518 : i32
        %add3A_520 = arith.constant 13 : i32
        %add3A_521 = arith.addi %mul3A_519, %add3A_520 : i32
        %slice3A_522 = vector.extract_strided_slice %gather3A_171 {offsets = [13], sizes = [1], strides = [1]} : vector<16xi32> to vector<1xi32>
        %squeeze3A_523 = vector.extract %slice3A_522[0] : i32 from vector<1xi32>
        %broadcast_in_dim3A_524 = vector.broadcast %squeeze3A_523 : i32 to vector<16xi32>
        %shift_right_logical3A_525 = arith.shrui %broadcast_in_dim3A_524, %iota3A : vector<16xi32>
        %and3A_526 = arith.constant 1 : i32
        %and3A_527 = vector.broadcast %and3A_526 : i32 to vector<16xi32>
        %and3A_528 = arith.andi %shift_right_logical3A_525, %and3A_527 : vector<16xi32>
        %eq3A_529 = arith.constant 1 : i32
        %eq3A_530 = vector.broadcast %eq3A_529 : i32 to vector<16xi32>
        %eq3A_531 = arith.cmpi eq, %and3A_528, %eq3A_530 : vector<16xi32>
        %broadcast_in_dim3A_532 = arith.constant true
        %broadcast_in_dim3A_533 = vector.broadcast %broadcast_in_dim3A_532 : i1 to vector<16xi1>
        %masked_cumsum3A_534 = tpu.scan <sum>, %and3A_528 masked %broadcast_in_dim3A_533 : vector<16xi32>, vector<16xi1> -> vector<16xi32>
        %add3A_535 = arith.addi %add3A_517, %masked_cumsum3A_534 : vector<16xi32>
        %sub3A_536 = arith.constant 1 : i32
        %sub3A_537 = vector.broadcast %sub3A_536 : i32 to vector<16xi32>
        %sub3A_538 = arith.subi %add3A_535, %sub3A_537 : vector<16xi32>
        %mul3A_539 = arith.constant 16 : i32
        %mul3A_540 = arith.muli %add3A_521, %mul3A_539 : i32
        %add3A_541 = vector.broadcast %mul3A_540 : i32 to vector<16xi32>
        %add3A_542 = arith.addi %add3A_541, %iota3A : vector<16xi32>
        tpu.vector_store_idx %arg12[%sub3A_538], %add3A_542 masked %eq3A_531 : memref<320xi32, #tpu.memory_space<vmem>>[vector<16xi32>], vector<16xi32>, vector<16xi1>
        %all_reduce_population_count3A_543 = tpu.all_reduce %eq3A_531 {dim = 0 : i64, kind = #tpu.reduction_kind<sum>} : vector<16xi1> -> vector<16xi32>
        %add3A_544 = arith.addi %add3A_517, %all_reduce_population_count3A_543 : vector<16xi32>
        %mul3A_545 = arith.constant 16 : i32
        %mul3A_546 = arith.muli %while3A_165, %mul3A_545 : i32
        %add3A_547 = arith.constant 14 : i32
        %add3A_548 = arith.addi %mul3A_546, %add3A_547 : i32
        %slice3A_549 = vector.extract_strided_slice %gather3A_171 {offsets = [14], sizes = [1], strides = [1]} : vector<16xi32> to vector<1xi32>
        %squeeze3A_550 = vector.extract %slice3A_549[0] : i32 from vector<1xi32>
        %broadcast_in_dim3A_551 = vector.broadcast %squeeze3A_550 : i32 to vector<16xi32>
        %shift_right_logical3A_552 = arith.shrui %broadcast_in_dim3A_551, %iota3A : vector<16xi32>
        %and3A_553 = arith.constant 1 : i32
        %and3A_554 = vector.broadcast %and3A_553 : i32 to vector<16xi32>
        %and3A_555 = arith.andi %shift_right_logical3A_552, %and3A_554 : vector<16xi32>
        %eq3A_556 = arith.constant 1 : i32
        %eq3A_557 = vector.broadcast %eq3A_556 : i32 to vector<16xi32>
        %eq3A_558 = arith.cmpi eq, %and3A_555, %eq3A_557 : vector<16xi32>
        %broadcast_in_dim3A_559 = arith.constant true
        %broadcast_in_dim3A_560 = vector.broadcast %broadcast_in_dim3A_559 : i1 to vector<16xi1>
        %masked_cumsum3A_561 = tpu.scan <sum>, %and3A_555 masked %broadcast_in_dim3A_560 : vector<16xi32>, vector<16xi1> -> vector<16xi32>
        %add3A_562 = arith.addi %add3A_544, %masked_cumsum3A_561 : vector<16xi32>
        %sub3A_563 = arith.constant 1 : i32
        %sub3A_564 = vector.broadcast %sub3A_563 : i32 to vector<16xi32>
        %sub3A_565 = arith.subi %add3A_562, %sub3A_564 : vector<16xi32>
        %mul3A_566 = arith.constant 16 : i32
        %mul3A_567 = arith.muli %add3A_548, %mul3A_566 : i32
        %add3A_568 = vector.broadcast %mul3A_567 : i32 to vector<16xi32>
        %add3A_569 = arith.addi %add3A_568, %iota3A : vector<16xi32>
        tpu.vector_store_idx %arg12[%sub3A_565], %add3A_569 masked %eq3A_558 : memref<320xi32, #tpu.memory_space<vmem>>[vector<16xi32>], vector<16xi32>, vector<16xi1>
        %all_reduce_population_count3A_570 = tpu.all_reduce %eq3A_558 {dim = 0 : i64, kind = #tpu.reduction_kind<sum>} : vector<16xi1> -> vector<16xi32>
        %add3A_571 = arith.addi %add3A_544, %all_reduce_population_count3A_570 : vector<16xi32>
        %mul3A_572 = arith.constant 16 : i32
        %mul3A_573 = arith.muli %while3A_165, %mul3A_572 : i32
        %add3A_574 = arith.constant 15 : i32
        %add3A_575 = arith.addi %mul3A_573, %add3A_574 : i32
        %slice3A_576 = vector.extract_strided_slice %gather3A_171 {offsets = [15], sizes = [1], strides = [1]} : vector<16xi32> to vector<1xi32>
        %squeeze3A_577 = vector.extract %slice3A_576[0] : i32 from vector<1xi32>
        %broadcast_in_dim3A_578 = vector.broadcast %squeeze3A_577 : i32 to vector<16xi32>
        %shift_right_logical3A_579 = arith.shrui %broadcast_in_dim3A_578, %iota3A : vector<16xi32>
        %and3A_580 = arith.constant 1 : i32
        %and3A_581 = vector.broadcast %and3A_580 : i32 to vector<16xi32>
        %and3A_582 = arith.andi %shift_right_logical3A_579, %and3A_581 : vector<16xi32>
        %eq3A_583 = arith.constant 1 : i32
        %eq3A_584 = vector.broadcast %eq3A_583 : i32 to vector<16xi32>
        %eq3A_585 = arith.cmpi eq, %and3A_582, %eq3A_584 : vector<16xi32>
        %broadcast_in_dim3A_586 = arith.constant true
        %broadcast_in_dim3A_587 = vector.broadcast %broadcast_in_dim3A_586 : i1 to vector<16xi1>
        %masked_cumsum3A_588 = tpu.scan <sum>, %and3A_582 masked %broadcast_in_dim3A_587 : vector<16xi32>, vector<16xi1> -> vector<16xi32>
        %add3A_589 = arith.addi %add3A_571, %masked_cumsum3A_588 : vector<16xi32>
        %sub3A_590 = arith.constant 1 : i32
        %sub3A_591 = vector.broadcast %sub3A_590 : i32 to vector<16xi32>
        %sub3A_592 = arith.subi %add3A_589, %sub3A_591 : vector<16xi32>
        %mul3A_593 = arith.constant 16 : i32
        %mul3A_594 = arith.muli %add3A_575, %mul3A_593 : i32
        %add3A_595 = vector.broadcast %mul3A_594 : i32 to vector<16xi32>
        %add3A_596 = arith.addi %add3A_595, %iota3A : vector<16xi32>
        tpu.vector_store_idx %arg12[%sub3A_592], %add3A_596 masked %eq3A_585 : memref<320xi32, #tpu.memory_space<vmem>>[vector<16xi32>], vector<16xi32>, vector<16xi1>
        %all_reduce_population_count3A_597 = tpu.all_reduce %eq3A_585 {dim = 0 : i64, kind = #tpu.reduction_kind<sum>} : vector<16xi1> -> vector<16xi32>
        %add3A_598 = arith.addi %add3A_571, %all_reduce_population_count3A_597 : vector<16xi32>
        %add3A_599 = arith.constant 1 : i32
        %add3A_600 = arith.addi %while3A_165, %add3A_599 : i32
        scf.yield %add3A_600, %add3A_598 : i32, vector<16xi32>
      }
      %reduce_max3A = arith.constant true
      %reduce_max3A_100 = vector.broadcast %reduce_max3A : i1 to vector<16xi1>
      %reduce_max3A_101 = arith.constant -2147483648 : i32
      %reduce_max3A_102 = vector.broadcast %reduce_max3A_101 : i32 to vector<16xi32>
      %reduce_max3A_103 = arith.xori %while3A_99#1, %reduce_max3A_102 : vector<16xi32>
      %reduce_max3A_104 = tpu.scan <max>, %reduce_max3A_103 masked %reduce_max3A_100 : vector<16xi32>, vector<16xi1> -> vector<16xi32>
      %reduce_max3A_105 = arith.xori %reduce_max3A_104, %reduce_max3A_102 : vector<16xi32>
      %reduce_max3A_106 = vector.extract %reduce_max3A_105[15] : i32 from vector<16xi32>
      %broadcast_in_dim3A_107 = vector.broadcast %reduce_max3A_106 : i32 to vector<16xi32>
      %get3A = arith.constant 0 : index
      %get3A_108 = tpu.vector_load %arg12[%get3A] {strides = array<i32>} : memref<320xi32, #tpu.memory_space<vmem>>, vector<16xi32>,
      %get3A_109 = arith.constant 16 : index
      %get3A_110 = tpu.vector_load %arg12[%get3A_109] {strides = array<i32>} : memref<320xi32, #tpu.memory_space<vmem>>, vector<16xi32>,
      %gt3A = arith.constant 0 : i32
      %gt3A_111 = vector.broadcast %gt3A : i32 to vector<16xi32>
      %gt3A_112 = arith.cmpi sgt, %broadcast_in_dim3A_107, %gt3A_111 : vector<16xi32>
      %gather3A_113 = tpu.vector_load_idx %arg12[%broadcast_in_dim3A_56] : memref<320xi32, #tpu.memory_space<vmem>>[vector<16xi32>], vector<16xi32>,
      %select_n3A_114 = arith.select %gt3A_112, %gather3A_113, %broadcast_in_dim3A_56 : vector<16xi1>, vector<16xi32>
      %lt3A_115 = arith.cmpi slt, %iota3A, %broadcast_in_dim3A_107 : vector<16xi32>
      %select_n3A_116 = arith.select %lt3A_115, %get3A_108, %select_n3A_114 : vector<16xi1>, vector<16xi32>
      %add3A_117 = arith.constant 16 : i32
      %add3A_118 = vector.broadcast %add3A_117 : i32 to vector<16xi32>
      %add3A_119 = arith.addi %iota3A, %add3A_118 : vector<16xi32>
      %lt3A_120 = arith.cmpi slt, %add3A_119, %broadcast_in_dim3A_107 : vector<16xi32>
      %select_n3A_121 = arith.select %lt3A_120, %get3A_110, %select_n3A_114 : vector<16xi1>, vector<16xi32>
      %mul3A_122 = arith.constant 32 : i32
      %mul3A_123 = arith.muli %scan3A_89, %mul3A_122 : i32
      %swap3A = arith.index_cast %mul3A_123 : i32 to index
      %swap3A_124 = tpu.vector_load %arg13[%swap3A] {strides = array<i32>} : memref<4096xi32, #tpu.memory_space<vmem>>, vector<16xi32>,
      tpu.vector_store %arg13[%swap3A], %select_n3A_116 {strides = array<i32>} : memref<4096xi32, #tpu.memory_space<vmem>>, vector<16xi32>,
      %add3A_125 = arith.constant 16 : i32
      %add3A_126 = arith.addi %mul3A_123, %add3A_125 : i32
      %swap3A_127 = arith.index_cast %add3A_126 : i32 to index
      %swap3A_128 = tpu.vector_load %arg13[%swap3A_127] {strides = array<i32>} : memref<4096xi32, #tpu.memory_space<vmem>>, vector<16xi32>,
      tpu.vector_store %arg13[%swap3A_127], %select_n3A_121 {strides = array<i32>} : memref<4096xi32, #tpu.memory_space<vmem>>, vector<16xi32>,
      %add3A_129 = arith.constant 0 : i32
      %add3A_130 = vector.broadcast %add3A_129 : i32 to vector<16xi32>
      %add3A_131 = arith.addi %add3A_130, %iota3A : vector<16xi32>
      %gather3A_132 = tpu.vector_load_idx %arg8[%select_n3A_116] : memref<8192xf32, #tpu.memory_space<vmem>>[vector<16xi32>], vector<16xf32>,
      %sub3A_133 = arith.subf %gather3A_132, %gather3A : vector<16xf32>
      %add3A_134 = arith.constant 0 : i32
      %add3A_135 = vector.broadcast %add3A_134 : i32 to vector<16xi32>
      %add3A_136 = arith.addi %broadcast_in_dim3A_56, %add3A_135 : vector<16xi32>
      tpu.vector_store_idx %arg14[%add3A_136, %add3A_131, %broadcast_in_dim3A_90], %sub3A_133 : memref<3x32x128xf32, #tpu.memory_space<vmem>>[vector<16xi32>, vector<16xi32>, vector<16xi32>], vector<16xf32>,
      %gather3A_137 = tpu.vector_load_idx %arg9[%select_n3A_116] : memref<8192xf32, #tpu.memory_space<vmem>>[vector<16xi32>], vector<16xf32>,
      %sub3A_138 = arith.subf %gather3A_137, %gather3A_94 : vector<16xf32>
      %add3A_139 = arith.constant 1 : i32
      %add3A_140 = vector.broadcast %add3A_139 : i32 to vector<16xi32>
      %add3A_141 = arith.addi %broadcast_in_dim3A_56, %add3A_140 : vector<16xi32>
      tpu.vector_store_idx %arg14[%add3A_141, %add3A_131, %broadcast_in_dim3A_90], %sub3A_138 : memref<3x32x128xf32, #tpu.memory_space<vmem>>[vector<16xi32>, vector<16xi32>, vector<16xi32>], vector<16xf32>,
      %gather3A_142 = tpu.vector_load_idx %arg10[%select_n3A_116] : memref<8192xf32, #tpu.memory_space<vmem>>[vector<16xi32>], vector<16xf32>,
      %sub3A_143 = arith.subf %gather3A_142, %gather3A_98 : vector<16xf32>
      %add3A_144 = arith.constant 2 : i32
      %add3A_145 = vector.broadcast %add3A_144 : i32 to vector<16xi32>
      %add3A_146 = arith.addi %broadcast_in_dim3A_56, %add3A_145 : vector<16xi32>
      tpu.vector_store_idx %arg14[%add3A_146, %add3A_131, %broadcast_in_dim3A_90], %sub3A_143 : memref<3x32x128xf32, #tpu.memory_space<vmem>>[vector<16xi32>, vector<16xi32>, vector<16xi32>], vector<16xf32>,
      %add3A_147 = arith.constant 16 : i32
      %add3A_148 = vector.broadcast %add3A_147 : i32 to vector<16xi32>
      %add3A_149 = arith.addi %add3A_148, %iota3A : vector<16xi32>
      %gather3A_150 = tpu.vector_load_idx %arg8[%select_n3A_121] : memref<8192xf32, #tpu.memory_space<vmem>>[vector<16xi32>], vector<16xf32>,
      %sub3A_151 = arith.subf %gather3A_150, %gather3A : vector<16xf32>
      %add3A_152 = arith.constant 0 : i32
      %add3A_153 = vector.broadcast %add3A_152 : i32 to vector<16xi32>
      %add3A_154 = arith.addi %broadcast_in_dim3A_56, %add3A_153 : vector<16xi32>
      tpu.vector_store_idx %arg14[%add3A_154, %add3A_149, %broadcast_in_dim3A_90], %sub3A_151 : memref<3x32x128xf32, #tpu.memory_space<vmem>>[vector<16xi32>, vector<16xi32>, vector<16xi32>], vector<16xf32>,
      %gather3A_155 = tpu.vector_load_idx %arg9[%select_n3A_121] : memref<8192xf32, #tpu.memory_space<vmem>>[vector<16xi32>], vector<16xf32>,
      %sub3A_156 = arith.subf %gather3A_155, %gather3A_94 : vector<16xf32>
      %add3A_157 = arith.constant 1 : i32
      %add3A_158 = vector.broadcast %add3A_157 : i32 to vector<16xi32>
      %add3A_159 = arith.addi %broadcast_in_dim3A_56, %add3A_158 : vector<16xi32>
      tpu.vector_store_idx %arg14[%add3A_159, %add3A_149, %broadcast_in_dim3A_90], %sub3A_156 : memref<3x32x128xf32, #tpu.memory_space<vmem>>[vector<16xi32>, vector<16xi32>, vector<16xi32>], vector<16xf32>,
      %gather3A_160 = tpu.vector_load_idx %arg10[%select_n3A_121] : memref<8192xf32, #tpu.memory_space<vmem>>[vector<16xi32>], vector<16xf32>,
      %sub3A_161 = arith.subf %gather3A_160, %gather3A_98 : vector<16xf32>
      %add3A_162 = arith.constant 2 : i32
      %add3A_163 = vector.broadcast %add3A_162 : i32 to vector<16xi32>
      %add3A_164 = arith.addi %broadcast_in_dim3A_56, %add3A_163 : vector<16xi32>
      tpu.vector_store_idx %arg14[%add3A_164, %add3A_149, %broadcast_in_dim3A_90], %sub3A_161 : memref<3x32x128xf32, #tpu.memory_space<vmem>>[vector<16xi32>, vector<16xi32>, vector<16xi32>], vector<16xf32>,
    }
    %scan3A_61 = arith.constant 128 : i32
    %mul3A_62 = arith.constant 1024 : i32
    %mul3A_63 = arith.muli %select_n3A, %mul3A_62 : i32
    %mul3A_64 = arith.constant 32 : i32
    %mul3A_65 = arith.muli %mul3A_63, %mul3A_64 : i32
    %mul3A_66 = arith.constant 32 : i32
    %mul3A_67 = arith.muli %mul3A_32, %mul3A_66 : i32
    %add3A_68 = arith.addi %mul3A_65, %mul3A_67 : i32
    "tpu.region"() ({
      %run_scoped3A_89 = tpu.sem_alloc : memref<!tpu.dma_semaphore, #tpu.memory_space<semaphore_mem>>
      %dma_start3A = tpu.memref_slice %arg5[%add3A_68] : memref<131072xi32, #tpu.memory_space<hbm>> -> memref<4096xi32, #tpu.memory_space<hbm>>
      %dma_start3A_90 = tpu.memref_slice %arg5[%add3A_68] : memref<131072xi32, #tpu.memory_space<hbm>> -> memref<4096xi32, #tpu.memory_space<hbm>>
      tpu.enqueue_dma source(%arg13 : memref<4096xi32, #tpu.memory_space<vmem>>) target(%dma_start3A_90 : memref<4096xi32, #tpu.memory_space<hbm>>) target_semaphore(%run_scoped3A_89 : memref<!tpu.dma_semaphore, #tpu.memory_space<semaphore_mem>>)
      %dma_wait3A = tpu.memref_slice %arg5[%add3A_68] : memref<131072xi32, #tpu.memory_space<hbm>> -> memref<4096xi32, #tpu.memory_space<hbm>>
      %dma_wait3A_91 = tpu.memref_slice %arg5[%add3A_68] : memref<131072xi32, #tpu.memory_space<hbm>> -> memref<4096xi32, #tpu.memory_space<hbm>>
      tpu.wait_dma2 semaphore(%run_scoped3A_89 : memref<!tpu.dma_semaphore, #tpu.memory_space<semaphore_mem>>) src(%arg13 : memref<4096xi32, #tpu.memory_space<vmem>>) dst(%dma_wait3A_91 : memref<4096xi32, #tpu.memory_space<hbm>>)
      tpu.yield
    }) : () -> ()
    %mul3A_69 = arith.constant 3 : i32
    %mul3A_70 = arith.muli %select_n3A, %mul3A_69 : i32
    %add3A_71 = arith.constant 0 : i32
    %add3A_72 = arith.addi %mul3A_70, %add3A_71 : i32
    %mul3A_73 = arith.constant 32 : i32
    %mul3A_74 = arith.muli %add3A_72, %mul3A_73 : i32
    %run_scoped3A = arith.constant 0 : i32
    "tpu.region"() ({
      %run_scoped3A_89 = tpu.sem_alloc : memref<!tpu.dma_semaphore, #tpu.memory_space<semaphore_mem>>
      %dma_start3A = arith.constant 0 : i32
      %dma_start3A_90 = arith.constant 0 : i32
      %dma_start3A_91 = tpu.memref_slice %arg14[%run_scoped3A, %dma_start3A, %dma_start3A_90] : memref<3x32x128xf32, #tpu.memory_space<vmem>> -> memref<1x32x128xf32, #tpu.memory_space<vmem>>
      %dma_start3A_92 = tpu.memref_squeeze %dma_start3A_91 : memref<1x32x128xf32, #tpu.memory_space<vmem>> -> memref<32x128xf32, #tpu.memory_space<vmem>>
      %dma_start3A_93 = tpu.memref_slice %arg6[%mul3A_74, %mul3A_32] : memref<384x1024xf32, #tpu.memory_space<hbm>> -> memref<32x128xf32, #tpu.memory_space<hbm>>
      %dma_start3A_94 = tpu.memref_slice %arg6[%mul3A_74, %mul3A_32] : memref<384x1024xf32, #tpu.memory_space<hbm>> -> memref<32x128xf32, #tpu.memory_space<hbm>>
      %dma_start3A_95 = arith.constant 0 : i32
      %dma_start3A_96 = arith.constant 0 : i32
      %dma_start3A_97 = tpu.memref_slice %arg14[%run_scoped3A, %dma_start3A_95, %dma_start3A_96] : memref<3x32x128xf32, #tpu.memory_space<vmem>> -> memref<1x32x128xf32, #tpu.memory_space<vmem>>
      %dma_start3A_98 = tpu.memref_squeeze %dma_start3A_97 : memref<1x32x128xf32, #tpu.memory_space<vmem>> -> memref<32x128xf32, #tpu.memory_space<vmem>>
      tpu.enqueue_dma source(%dma_start3A_98 : memref<32x128xf32, #tpu.memory_space<vmem>>) target(%dma_start3A_94 : memref<32x128xf32, #tpu.memory_space<hbm>>) target_semaphore(%run_scoped3A_89 : memref<!tpu.dma_semaphore, #tpu.memory_space<semaphore_mem>>)
      %dma_wait3A = arith.constant 0 : i32
      %dma_wait3A_99 = arith.constant 0 : i32
      %dma_wait3A_100 = tpu.memref_slice %arg14[%run_scoped3A, %dma_wait3A, %dma_wait3A_99] : memref<3x32x128xf32, #tpu.memory_space<vmem>> -> memref<1x32x128xf32, #tpu.memory_space<vmem>>
      %dma_wait3A_101 = tpu.memref_squeeze %dma_wait3A_100 : memref<1x32x128xf32, #tpu.memory_space<vmem>> -> memref<32x128xf32, #tpu.memory_space<vmem>>
      %dma_wait3A_102 = tpu.memref_slice %arg6[%mul3A_74, %mul3A_32] : memref<384x1024xf32, #tpu.memory_space<hbm>> -> memref<32x128xf32, #tpu.memory_space<hbm>>
      %dma_wait3A_103 = tpu.memref_slice %arg6[%mul3A_74, %mul3A_32] : memref<384x1024xf32, #tpu.memory_space<hbm>> -> memref<32x128xf32, #tpu.memory_space<hbm>>
      %dma_wait3A_104 = arith.constant 0 : i32
      %dma_wait3A_105 = arith.constant 0 : i32
      %dma_wait3A_106 = tpu.memref_slice %arg14[%run_scoped3A, %dma_wait3A_104, %dma_wait3A_105] : memref<3x32x128xf32, #tpu.memory_space<vmem>> -> memref<1x32x128xf32, #tpu.memory_space<vmem>>
      %dma_wait3A_107 = tpu.memref_squeeze %dma_wait3A_106 : memref<1x32x128xf32, #tpu.memory_space<vmem>> -> memref<32x128xf32, #tpu.memory_space<vmem>>
      tpu.wait_dma2 semaphore(%run_scoped3A_89 : memref<!tpu.dma_semaphore, #tpu.memory_space<semaphore_mem>>) src(%dma_wait3A_107 : memref<32x128xf32, #tpu.memory_space<vmem>>) dst(%dma_wait3A_103 : memref<32x128xf32, #tpu.memory_space<hbm>>)
      tpu.yield
    }) : () -> ()
    %mul3A_75 = arith.constant 3 : i32
    %mul3A_76 = arith.muli %select_n3A, %mul3A_75 : i32
    %add3A_77 = arith.constant 1 : i32
    %add3A_78 = arith.addi %mul3A_76, %add3A_77 : i32
    %mul3A_79 = arith.constant 32 : i32
    %mul3A_80 = arith.muli %add3A_78, %mul3A_79 : i32
    %run_scoped3A_81 = arith.constant 1 : i32
    "tpu.region"() ({
      %run_scoped3A_89 = tpu.sem_alloc : memref<!tpu.dma_semaphore, #tpu.memory_space<semaphore_mem>>
      %dma_start3A = arith.constant 0 : i32
      %dma_start3A_90 = arith.constant 0 : i32
      %dma_start3A_91 = tpu.memref_slice %arg14[%run_scoped3A_81, %dma_start3A, %dma_start3A_90] : memref<3x32x128xf32, #tpu.memory_space<vmem>> -> memref<1x32x128xf32, #tpu.memory_space<vmem>>
      %dma_start3A_92 = tpu.memref_squeeze %dma_start3A_91 : memref<1x32x128xf32, #tpu.memory_space<vmem>> -> memref<32x128xf32, #tpu.memory_space<vmem>>
      %dma_start3A_93 = tpu.memref_slice %arg6[%mul3A_80, %mul3A_32] : memref<384x1024xf32, #tpu.memory_space<hbm>> -> memref<32x128xf32, #tpu.memory_space<hbm>>
      %dma_start3A_94 = tpu.memref_slice %arg6[%mul3A_80, %mul3A_32] : memref<384x1024xf32, #tpu.memory_space<hbm>> -> memref<32x128xf32, #tpu.memory_space<hbm>>
      %dma_start3A_95 = arith.constant 0 : i32
      %dma_start3A_96 = arith.constant 0 : i32
      %dma_start3A_97 = tpu.memref_slice %arg14[%run_scoped3A_81, %dma_start3A_95, %dma_start3A_96] : memref<3x32x128xf32, #tpu.memory_space<vmem>> -> memref<1x32x128xf32, #tpu.memory_space<vmem>>
      %dma_start3A_98 = tpu.memref_squeeze %dma_start3A_97 : memref<1x32x128xf32, #tpu.memory_space<vmem>> -> memref<32x128xf32, #tpu.memory_space<vmem>>
      tpu.enqueue_dma source(%dma_start3A_98 : memref<32x128xf32, #tpu.memory_space<vmem>>) target(%dma_start3A_94 : memref<32x128xf32, #tpu.memory_space<hbm>>) target_semaphore(%run_scoped3A_89 : memref<!tpu.dma_semaphore, #tpu.memory_space<semaphore_mem>>)
      %dma_wait3A = arith.constant 0 : i32
      %dma_wait3A_99 = arith.constant 0 : i32
      %dma_wait3A_100 = tpu.memref_slice %arg14[%run_scoped3A_81, %dma_wait3A, %dma_wait3A_99] : memref<3x32x128xf32, #tpu.memory_space<vmem>> -> memref<1x32x128xf32, #tpu.memory_space<vmem>>
      %dma_wait3A_101 = tpu.memref_squeeze %dma_wait3A_100 : memref<1x32x128xf32, #tpu.memory_space<vmem>> -> memref<32x128xf32, #tpu.memory_space<vmem>>
      %dma_wait3A_102 = tpu.memref_slice %arg6[%mul3A_80, %mul3A_32] : memref<384x1024xf32, #tpu.memory_space<hbm>> -> memref<32x128xf32, #tpu.memory_space<hbm>>
      %dma_wait3A_103 = tpu.memref_slice %arg6[%mul3A_80, %mul3A_32] : memref<384x1024xf32, #tpu.memory_space<hbm>> -> memref<32x128xf32, #tpu.memory_space<hbm>>
      %dma_wait3A_104 = arith.constant 0 : i32
      %dma_wait3A_105 = arith.constant 0 : i32
      %dma_wait3A_106 = tpu.memref_slice %arg14[%run_scoped3A_81, %dma_wait3A_104, %dma_wait3A_105] : memref<3x32x128xf32, #tpu.memory_space<vmem>> -> memref<1x32x128xf32, #tpu.memory_space<vmem>>
      %dma_wait3A_107 = tpu.memref_squeeze %dma_wait3A_106 : memref<1x32x128xf32, #tpu.memory_space<vmem>> -> memref<32x128xf32, #tpu.memory_space<vmem>>
      tpu.wait_dma2 semaphore(%run_scoped3A_89 : memref<!tpu.dma_semaphore, #tpu.memory_space<semaphore_mem>>) src(%dma_wait3A_107 : memref<32x128xf32, #tpu.memory_space<vmem>>) dst(%dma_wait3A_103 : memref<32x128xf32, #tpu.memory_space<hbm>>)
      tpu.yield
    }) : () -> ()
    %mul3A_82 = arith.constant 3 : i32
    %mul3A_83 = arith.muli %select_n3A, %mul3A_82 : i32
    %add3A_84 = arith.constant 2 : i32
    %add3A_85 = arith.addi %mul3A_83, %add3A_84 : i32
    %mul3A_86 = arith.constant 32 : i32
    %mul3A_87 = arith.muli %add3A_85, %mul3A_86 : i32
    %run_scoped3A_88 = arith.constant 2 : i32
    "tpu.region"() ({
      %run_scoped3A_89 = tpu.sem_alloc : memref<!tpu.dma_semaphore, #tpu.memory_space<semaphore_mem>>
      %dma_start3A = arith.constant 0 : i32
      %dma_start3A_90 = arith.constant 0 : i32
      %dma_start3A_91 = tpu.memref_slice %arg14[%run_scoped3A_88, %dma_start3A, %dma_start3A_90] : memref<3x32x128xf32, #tpu.memory_space<vmem>> -> memref<1x32x128xf32, #tpu.memory_space<vmem>>
      %dma_start3A_92 = tpu.memref_squeeze %dma_start3A_91 : memref<1x32x128xf32, #tpu.memory_space<vmem>> -> memref<32x128xf32, #tpu.memory_space<vmem>>
      %dma_start3A_93 = tpu.memref_slice %arg6[%mul3A_87, %mul3A_32] : memref<384x1024xf32, #tpu.memory_space<hbm>> -> memref<32x128xf32, #tpu.memory_space<hbm>>
      %dma_start3A_94 = tpu.memref_slice %arg6[%mul3A_87, %mul3A_32] : memref<384x1024xf32, #tpu.memory_space<hbm>> -> memref<32x128xf32, #tpu.memory_space<hbm>>
      %dma_start3A_95 = arith.constant 0 : i32
      %dma_start3A_96 = arith.constant 0 : i32
      %dma_start3A_97 = tpu.memref_slice %arg14[%run_scoped3A_88, %dma_start3A_95, %dma_start3A_96] : memref<3x32x128xf32, #tpu.memory_space<vmem>> -> memref<1x32x128xf32, #tpu.memory_space<vmem>>
      %dma_start3A_98 = tpu.memref_squeeze %dma_start3A_97 : memref<1x32x128xf32, #tpu.memory_space<vmem>> -> memref<32x128xf32, #tpu.memory_space<vmem>>
      tpu.enqueue_dma source(%dma_start3A_98 : memref<32x128xf32, #tpu.memory_space<vmem>>) target(%dma_start3A_94 : memref<32x128xf32, #tpu.memory_space<hbm>>) target_semaphore(%run_scoped3A_89 : memref<!tpu.dma_semaphore, #tpu.memory_space<semaphore_mem>>)
      %dma_wait3A = arith.constant 0 : i32
      %dma_wait3A_99 = arith.constant 0 : i32
      %dma_wait3A_100 = tpu.memref_slice %arg14[%run_scoped3A_88, %dma_wait3A, %dma_wait3A_99] : memref<3x32x128xf32, #tpu.memory_space<vmem>> -> memref<1x32x128xf32, #tpu.memory_space<vmem>>
      %dma_wait3A_101 = tpu.memref_squeeze %dma_wait3A_100 : memref<1x32x128xf32, #tpu.memory_space<vmem>> -> memref<32x128xf32, #tpu.memory_space<vmem>>
      %dma_wait3A_102 = tpu.memref_slice %arg6[%mul3A_87, %mul3A_32] : memref<384x1024xf32, #tpu.memory_space<hbm>> -> memref<32x128xf32, #tpu.memory_space<hbm>>
      %dma_wait3A_103 = tpu.memref_slice %arg6[%mul3A_87, %mul3A_32] : memref<384x1024xf32, #tpu.memory_space<hbm>> -> memref<32x128xf32, #tpu.memory_space<hbm>>
      %dma_wait3A_104 = arith.constant 0 : i32
      %dma_wait3A_105 = arith.constant 0 : i32
      %dma_wait3A_106 = tpu.memref_slice %arg14[%run_scoped3A_88, %dma_wait3A_104, %dma_wait3A_105] : memref<3x32x128xf32, #tpu.memory_space<vmem>> -> memref<1x32x128xf32, #tpu.memory_space<vmem>>
      %dma_wait3A_107 = tpu.memref_squeeze %dma_wait3A_106 : memref<1x32x128xf32, #tpu.memory_space<vmem>> -> memref<32x128xf32, #tpu.memory_space<vmem>>
      tpu.wait_dma2 semaphore(%run_scoped3A_89 : memref<!tpu.dma_semaphore, #tpu.memory_space<semaphore_mem>>) src(%dma_wait3A_107 : memref<32x128xf32, #tpu.memory_space<vmem>>) dst(%dma_wait3A_103 : memref<32x128xf32, #tpu.memory_space<hbm>>)
      tpu.yield
    }) : () -> ()
    return
  }
}

module attributes {stable_mosaic.version = 14 : i64} {
  func.func @_maskw_body(%arg0: i32, %arg1: i32, %arg2: i32, %arg3: memref<1x512x3xf32, #tpu.memory_space<vmem>>, %arg4: memref<1x3x512xf32, #tpu.memory_space<vmem>>, %arg5: memref<1x512x1xf32, #tpu.memory_space<vmem>>, %arg6: memref<1x1x512xf32, #tpu.memory_space<vmem>>, %arg7: memref<32x512xf32, #tpu.memory_space<vmem>>, %arg8: memref<1x32x512xi32, #tpu.memory_space<vmem>>) attributes {dimension_semantics = [#tpu.dimension_semantics<arbitrary>, #tpu.dimension_semantics<arbitrary>, #tpu.dimension_semantics<arbitrary>], iteration_bounds = array<i64: 4, 2, 16>, scalar_prefetch = 0 : i64, scratch_operands = 0 : i64, tpu.core_type = #tpu.core_type<tc>, window_params = [{transform_indices = @transform_0, window_bounds = array<i64: 1, 512, 3>}, {transform_indices = @transform_1, window_bounds = array<i64: 1, 3, 512>}, {transform_indices = @transform_2, window_bounds = array<i64: 1, 512, 1>}, {transform_indices = @transform_3, window_bounds = array<i64: 1, 1, 512>}, {pipeline_mode = #tpu.pipeline_mode<synchronous>, transform_indices = @transform_4, window_bounds = array<i64: 32, 512>}, {transform_indices = @transform_5, window_bounds = array<i64: 1, 32, 512>}]} {
    %get3A = arith.constant 0 : index
    %get3A_0 = arith.constant 0 : index
    %get3A_1 = arith.constant 0 : index
    %get3A_2 = vector.load %arg3[%get3A, %get3A_0, %get3A_1] : memref<1x512x3xf32, #tpu.memory_space<vmem>>, vector<1x512x3xf32>
    %get3A_3 = vector.shape_cast %get3A_2 : vector<1x512x3xf32> to vector<512x3xf32>
    %get3A_4 = arith.constant 0 : index
    %get3A_5 = arith.constant 0 : index
    %get3A_6 = arith.constant 0 : index
    %get3A_7 = vector.load %arg4[%get3A_4, %get3A_5, %get3A_6] : memref<1x3x512xf32, #tpu.memory_space<vmem>>, vector<1x3x512xf32>
    %get3A_8 = vector.shape_cast %get3A_7 : vector<1x3x512xf32> to vector<3x512xf32>
    %dot_general3A = arith.constant dense<0.000000e+00> : vector<512x512xf32>
    %dot_general3A_9 = tpu.matmul %get3A_3, %get3A_8, %dot_general3A {dimension_numbers = #tpu.dot_dimension_numbers<[1], [0], [0], [1], [0, 0, 1, 1], [], []>, transpose_lhs_hint = false} : vector<512x3xf32>, vector<3x512xf32>, vector<512x512xf32> -> vector<512x512xf32>
    %get3A_10 = arith.constant 0 : index
    %get3A_11 = arith.constant 0 : index
    %get3A_12 = arith.constant 0 : index
    %get3A_13 = vector.load %arg5[%get3A_10, %get3A_11, %get3A_12] : memref<1x512x1xf32, #tpu.memory_space<vmem>>, vector<1x512x1xf32>
    %get3A_14 = vector.shape_cast %get3A_13 : vector<1x512x1xf32> to vector<512x1xf32>
    %get3A_15 = arith.constant 0 : index
    %get3A_16 = arith.constant 0 : index
    %get3A_17 = arith.constant 0 : index
    %get3A_18 = vector.load %arg6[%get3A_15, %get3A_16, %get3A_17] : memref<1x1x512xf32, #tpu.memory_space<vmem>>, vector<1x1x512xf32>
    %get3A_19 = vector.shape_cast %get3A_18 : vector<1x1x512xf32> to vector<1x512xf32>
    %add3A = vector.broadcast %get3A_14 : vector<512x1xf32> to vector<512x512xf32>
    %add3A_20 = vector.broadcast %get3A_19 : vector<1x512xf32> to vector<512x512xf32>
    %add3A_21 = arith.addf %add3A, %add3A_20 : vector<512x512xf32>
    %mul3A = arith.constant 2.000000e+00 : f32
    %mul3A_22 = vector.broadcast %mul3A : f32 to vector<512x512xf32>
    %mul3A_23 = arith.mulf %mul3A_22, %dot_general3A_9 : vector<512x512xf32>
    %sub3A = arith.subf %add3A_21, %mul3A_23 : vector<512x512xf32>
    %lt3A = arith.constant 4.000000e-02 : f32
    %lt3A_24 = vector.broadcast %lt3A : f32 to vector<512x512xf32>
    %lt3A_25 = arith.cmpf olt, %sub3A, %lt3A_24 : vector<512x512xf32>
    %jit3A = arith.constant 1.000000e+00 : f32
    %jit3A_26 = arith.constant 0.000000e+00 : f32
    %broadcast_in_dim3A = vector.broadcast %jit3A : f32 to vector<512x512xf32>
    %broadcast_in_dim3A_27 = vector.broadcast %jit3A_26 : f32 to vector<512x512xf32>
    %select_n3A = arith.select %lt3A_25, %broadcast_in_dim3A, %broadcast_in_dim3A_27 : vector<512x512xi1>, vector<512x512xf32>
    %get3A_28 = arith.constant 0 : index
    %get3A_29 = arith.constant 0 : index
    %get3A_30 = vector.load %arg7[%get3A_28, %get3A_29] : memref<32x512xf32, #tpu.memory_space<vmem>>, vector<32x512xf32>
    %dot_general3A_31 = arith.constant dense<0.000000e+00> : vector<32x512xf32>
    %dot_general3A_32 = tpu.matmul %get3A_30, %select_n3A, %dot_general3A_31 {dimension_numbers = #tpu.dot_dimension_numbers<[1], [1], [0], [0], [0, 0, 1, 0], [], []>, transpose_lhs_hint = false} : vector<32x512xf32>, vector<512x512xf32>, vector<32x512xf32> -> vector<32x512xf32>
    %convert_element_type3A = arith.fptosi %dot_general3A_32 : vector<32x512xf32> to vector<32x512xi32>
    %swap3A = arith.constant 0 : index
    %swap3A_33 = arith.constant 0 : index
    %swap3A_34 = arith.constant 0 : index
    %swap3A_35 = vector.load %arg8[%swap3A, %swap3A_33, %swap3A_34] : memref<1x32x512xi32, #tpu.memory_space<vmem>>, vector<1x32x512xi32>
    %swap3A_36 = vector.shape_cast %swap3A_35 : vector<1x32x512xi32> to vector<32x512xi32>
    %swap3A_37 = vector.shape_cast %convert_element_type3A : vector<32x512xi32> to vector<1x32x512xi32>
    tpu.vector_store %arg8[%swap3A, %swap3A_33, %swap3A_34], %swap3A_37 {strides = array<i32>} : memref<1x32x512xi32, #tpu.memory_space<vmem>>, vector<1x32x512xi32>,
    return
  }
  func.func @transform_0(%arg0: i32, %arg1: i32, %arg2: i32) -> (i32, i32, i32) {
    %c0_i32 = arith.constant 0 : i32
    %c0_i32_0 = arith.constant 0 : i32
    return %arg0, %arg1, %c0_i32 : i32, i32, i32
  }
  func.func @transform_1(%arg0: i32, %arg1: i32, %arg2: i32) -> (i32, i32, i32) {
    %c0_i32 = arith.constant 0 : i32
    %c0_i32_0 = arith.constant 0 : i32
    return %arg0, %c0_i32, %arg2 : i32, i32, i32
  }
  func.func @transform_2(%arg0: i32, %arg1: i32, %arg2: i32) -> (i32, i32, i32) {
    %c0_i32 = arith.constant 0 : i32
    %c0_i32_0 = arith.constant 0 : i32
    return %arg0, %arg1, %c0_i32 : i32, i32, i32
  }
  func.func @transform_3(%arg0: i32, %arg1: i32, %arg2: i32) -> (i32, i32, i32) {
    %c0_i32 = arith.constant 0 : i32
    %c0_i32_0 = arith.constant 0 : i32
    return %arg0, %c0_i32, %arg2 : i32, i32, i32
  }
  func.func @transform_4(%arg0: i32, %arg1: i32, %arg2: i32) -> (i32, i32) {
    %c0_i32 = arith.constant 0 : i32
    %c0_i32_0 = arith.constant 0 : i32
    %c0_i32_1 = arith.constant 0 : i32
    return %c0_i32, %c0_i32_0 : i32, i32
  }
  func.func @transform_5(%arg0: i32, %arg1: i32, %arg2: i32) -> (i32, i32, i32) {
    %c0_i32 = arith.constant 0 : i32
    return %arg0, %arg2, %arg1 : i32, i32, i32
  }
}

</mosaic_0001>

<sc_bundles>
// kernel: kernel.5.cloned.1.call-start
scs
__scs_entry_jumppad:
0x0: {  	(pc) =	sbr.rel $0x88, $3  }
0x1: {  	(tag) =	ssettag $0x0;
	lr =	simm.s32 $0x1  }
0x2: {  	[smem:$0x3F9E] =	sst lr;
	_ =	strace $0xD0000000  }
0x3: {  	_ = 	snop  }
0x4: {  	_ = 	snop  }
0x5: {  	_ = 	snop  }
0x6: {  	_ = 	snop  }
0x7: {  	_ = 	snop  }
__scs_overlays_trampoline_lowered:
0x8: {  	[smem:$0x3FAD] =	sst s0  }
0x9: {  	[smem:$0x3FAE] =	sst s1  }
0xa: {  	[smem:$0x3FAF] =	sst s2  }
0xb: {  	[smem:$0x3FB0] =	sst s3  }
0xc: {  	[smem:$0x3FB1] =	sst s4  }
0xd: {  	[smem:$0x3FB2] =	sst s5  }
0xe: {  	[smem:$0x3FB3] =	sst s6  }
0xf: {  	[smem:$0x3FB4] =	sst s7  }
0x10: {  	[smem:$0x3FB5] =	sst s8  }
0x11: {  	[smem:$0x3FB6] =	sst s9;
	s0 =	simm.s32 @!p0 $0x0  }
0x12: {  	s1 =	sld [smem:$0x3F9C];
	s0 =	simm.s32 @p0 $0x1  }
0x13: {  	[smem:$0x3FB7] =	sst s0;
	s0 =	simm.s32 @!p1 $0x0  }
0x14: {  	s2 =	sld [smem:$0x3F9B];
	s0 =	simm.s32 @p1 $0x1  }
0x15: {  	[smem:$0x3FB8] =	sst s0;
	s0 =	simm.s32 @!p2 $0x0  }
0x16: {  	s3 =	sld [smem:$0x3FDB];
	s0 =	simm.s32 @p2 $0x1  }
0x17: {  	s4 =	simm.s32 $0x1BF5;
	[smem:$0x3FBA] =	sst s0  }
0x18: {  	s0 =	sld [smem:$0x3F9D];
	_ =	swait.ge [sflag:s4], $0x0  }
0x19: {  	s7 =	sld [smem:$0x3F9E]  }
0x1a: {  	s8 =	sadd.s32 $0xFFFFE003, lr  }
0x1b: {  	s9 =	sadd.s32 $0xFFFFFEF7, lr;
	s5 =	simm.s32 $0xFFFFFFFF;
	p2 =	slt.u32 s8, $0xFFFFF086  }
0x1c: {  	p1 =	slt.u32 s9, $0xF7A;
	s5 =	simm.s32 @!p2 $0x0  }
0x1d: {  	s5 =	simm.s32 @p1 $0x1;
	p0 =	seq.s32 s7, s2  }
0x1e: {  	s7 =	smul.u32 @!p0 $0xF7A, s2;
	p2 =	seq.s32 @!p0 s5, $0x0  }
0x1f: {  	s9 =	smul.u32 $0xF7A, s1;
	s8 =	simm.s32 @!p0 $0x1BF5;
	p2 =	por !p2, p0  }
0x20: {  	[sflag:s8] =	ssyncset.s32 @!p0 $0xFFFFF086;
	s6 =	sadd.s32 @!p0 s3, s7;
	s7 =	simm.s32 @!p0 $0x108  }
0x21: {  	s3 =	sadd.s32 s3, s9;
	s6 =	sadd.s32 @!p0 $0x88, s6;
	s7 =	simm.s32 @p2 $0x1082  }
0x22: {  	[simem:s7], [sflag:s8] =	dma.local @!p0 [hbm:s6], $0xF7A  }
0x23: {  	s9 =	sor.u32 $0xD0000000, s2;
	s6 =	simm.s32 $0x108;
	_ =	swait.ge @!p0 [sflag:s8], $0x0  }
0x24: {  	s3 =	sadd.s32 $0x88, s3;
	s6 =	simm.s32 @!p1 $0x1082;
	[sflag:s4] =	ssyncset.s32 $0xFFFFF086  }
0x25: {  	[simem:s6], [sflag:s4] =	dma.local [hbm:s3], $0xF7A  }
0x26: {  	[smem:$0x3F9E] =	sst s1;
	(tag) =	ssettag s2;
	_ =	strace s9  }
0x27: {  	s1 =	sld [smem:$0x3FAE]  }
0x28: {  	s2 =	sld [smem:$0x3FAF]  }
0x29: {  	s4 =	sld [smem:$0x3FB1]  }
0x2a: {  	p0 =	seq.s32 s5, $0x0;
	s5 =	sld [smem:$0x3FB2]  }
0x2b: {  	s6 =	sld [smem:$0x3FB3]  }
0x2c: {  	s7 =	sld [smem:$0x3FB4]  }
0x2d: {  	s3 =	simm.s32 $0x108;
	s8 =	sld [smem:$0x3FB5]  }
0x2e: {  	s3 =	simm.s32 @!p0 $0x1082;
	s9 =	sld [smem:$0x3FB6]  }
0x2f: {  	lr =	sadd.s32 s0, s3;
	s0 =	sld [smem:$0x3FAD]  }
0x30: {  	s3 =	sld [smem:$0x3FB0]  }
0x31: {  	[smem:$0x3FB9] =	sst s10  }
0x32: {  	s10 =	sld [smem:$0x3FB7];
	_ =	sdelay $0x3  }
0x33: {  	p0 =	seq.s32 s10, $0x1;
	s10 =	sld [smem:$0x3FB9];
	_ =	sdelay $0x3  }
0x34: {  	[smem:$0x3FB9] =	sst s10  }
0x35: {  	s10 =	sld [smem:$0x3FB8];
	_ =	sdelay $0x3  }
0x36: {  	p1 =	seq.s32 s10, $0x1;
	s10 =	sld [smem:$0x3FB9];
	_ =	sdelay $0x3  }
0x37: {  	[smem:$0x3FB9] =	sst s10  }
0x38: {  	s10 =	sld [smem:$0x3FBA]  }
0x39: {  	_ = 	snop;
	(pc) =	sbr.ind lr, $3  }
0x3a: {  	_ = 	snop  }
0x3b: {  	_ = 	snop  }
0x3c: {  	p2 =	seq.s32 s10, $0x1;
	s10 =	sld [smem:$0x3FB9]  }
0x3d: {  	_ =	shalt  }
0x3e: {  	_ =	shalt  }
0x3f: {  	_ =	shalt  }
0x40: {  	_ =	shalt  }
0x41: {  	_ =	shalt  }
0x42: {  	_ =	shalt  }
0x43: {  	_ =	shalt  }
0x44: {  	_ =	shalt  }
0x45: {  	_ =	shalt  }
0x46: {  	_ =	shalt  }
0x47: {  	_ =	shalt  }
0x48: {  	_ =	shalt  }
0x49: {  	_ =	shalt  }
0x4a: {  	_ =	shalt  }
0x4b: {  	_ =	shalt  }
0x4c: {  	_ =	shalt  }
0x4d: {  	_ =	shalt  }
0x4e: {  	_ =	shalt  }
0x4f: {  	_ =	shalt  }
0x50: {  	_ =	shalt  }
0x51: {  	_ =	shalt  }
0x52: {  	_ =	shalt  }
0x53: {  	_ =	shalt  }
0x54: {  	_ =	shalt  }
0x55: {  	_ =	shalt  }
0x56: {  	_ =	shalt  }
0x57: {  	_ =	shalt  }
0x58: {  	_ =	shalt  }
0x59: {  	_ =	shalt  }
0x5a: {  	_ =	shalt  }
0x5b: {  	_ =	shalt  }
0x5c: {  	_ =	shalt  }
0x5d: {  	_ =	shalt  }
0x5e: {  	_ =	shalt  }
0x5f: {  	_ =	shalt  }
0x60: {  	_ =	shalt  }
0x61: {  	_ =	shalt  }
0x62: {  	_ =	shalt  }
0x63: {  	_ =	shalt  }
0x64: {  	_ =	shalt  }
0x65: {  	_ =	shalt  }
0x66: {  	_ =	shalt  }
0x67: {  	_ =	shalt  }
0x68: {  	_ =	shalt  }
0x69: {  	_ =	shalt  }
0x6a: {  	_ =	shalt  }
0x6b: {  	_ =	shalt  }
0x6c: {  	_ =	shalt  }
0x6d: {  	_ =	shalt  }
0x6e: {  	_ =	shalt  }
0x6f: {  	_ =	shalt  }
0x70: {  	_ =	shalt  }
0x71: {  	_ =	shalt  }
0x72: {  	_ =	shalt  }
0x73: {  	_ =	shalt  }
0x74: {  	_ =	shalt  }
0x75: {  	_ =	shalt  }
0x76: {  	_ =	shalt  }
0x77: {  	_ =	shalt  }
0x78: {  	_ =	shalt  }
0x79: {  	_ =	shalt  }
0x7a: {  	_ =	shalt  }
0x7b: {  	_ =	shalt  }
0x7c: {  	_ =	shalt  }
0x7d: {  	_ =	shalt  }
0x7e: {  	_ =	shalt  }
0x7f: {  	_ =	shalt  }
0x80: {  	_ =	shalt  }
0x81: {  	_ =	shalt  }
0x82: {  	_ =	shalt  }
0x83: {  	_ =	shalt  }
0x84: {  	_ =	shalt  }
0x85: {  	_ =	shalt  }
0x86: {  	_ =	shalt  }
0x87: {  	_ =	shalt  }
.Lfunc_end0:
.L_simem_size_0:
called_computation_lowered:
.L_overlay_start_0:
0x88: {  	s2 =	sld [smem:$0x3FD9]  }
0x89: {  	s3 =	sld [smem:$0x3FFE];
	_ =	sdelay $0x1  }
0x8a: {  	s1 =	srdreg.scid  }
0x8b: {  	s0 =	sand.u32 $0x1, s1  }
0x8c: {  	s14 =	sshll.u32 s0, $0xA;
	s2 =	sadd.s32 s3, s2  }
0x8d: {  	s2 =	sadd.s32 s2, s14  }
0x8e: {  	[smem:$0x3FC5] =	sst s2  }
0x8f: {  	_ = 	snop  }
0x90: {  	s2 =	sld [smem:$0x3FD0];
	_ =	sdelay $0x2  }
0x91: {  	s15 =	simm.s32 $0xA;
	s4 =	simm.s32 $0x10  }
0x92: {  	[smem:s4], [sflag:s15] =	dma.local [hbm:s2], $0x1  }
0x93: {  	_ =	swait.eq [sflag:s15], $0x1  }
0x94: {  	[sflag:s15] =	ssyncset.done $0x0  }
0x95: {  	[sflag:s15] =	ssyncadd.s32 $0xFFFFFFFF  }
0x96: {  	s16 =	sld [smem:$0x10];
	(tm) =	ssettm $0x1  }
0x97: {  	s17 =	sld [smem:$0x3FFB];
	_ =	sdelay $0x3  }
0x98: {  	_ =	strace s17  }
0x99: {  	s3 =	sld [smem:$0x3FFC];
	_ =	sdelay $0x3  }
0x9a: {  	_ =	strace s3  }
0x9b: {  	s3 =	sld [smem:$0x3FFD];
	_ =	sdelay $0x3  }
0x9c: {  	_ =	strace s3  }
0x9d: {  	_ =	strace $0x8FFFFFFF  }
0x9e: {  	s18 =	sld [smem:$0x3FDB];
	_ =	sdelay $0x1  }
0x9f: {  	s19 =	simm.s32 $_scs_section_size  }
0xa0: {  	s5 =	simm.s32 $_size__tile_overlayer_lowered;
	s6 =	simm.s32 $_tile_overlayer_lowered  }
0xa1: {  	s22 =	simm.s32 $0x1BFF;
	s21 =	sshll.u32 s6, $0x1;
	s3 =	sadd.s32 s19, s18  }
0xa2: {  	s7 =	simm.s32 $0x0;
	s20 =	sshll.u32 s5, $0x1;
	s5 =	sadd.s32 s21, s3  }
0xa3: {  	[timem:s7], [sflag:s22] =	dma.local [hbm:s5], s20  }
0xa4: {  	_ =	swait.ge [sflag:s22], s20  }
0xa5: {  	s4 =	ssub.s32 $0x0, s20;
	[sflag:s22] =	ssyncset.done $0x0  }
0xa6: {  	[sflag:s22] =	ssyncadd.s32 s4;
	_ =	sdelay $0x1  }
0xa7: {  	s23 =	simm.s32 $0x1B8B  }
0xa8: {  	_ =	swait.ge [sflag:s23], $0x1  }
0xa9: {  	[sflag:s23] =	ssyncset.done $0x0  }
0xaa: {  	s25 =	simm.s32 $0x1B8E;
	s24 =	sld [smem:$0x3FFE];
	[sflag:s23] =	ssyncadd.s32 $0xFFFFFFFF  }
0xab: {  	s26 =	simm.s32 $execute0_lowered;
	[smem:$0x3FD2] =	sst s25  }
0xac: {  	s5 =	sshll.u32 s26, $0x1;
	_ =	strace $0x80000046;
	[dreg:$0x1] =	wrdreg $0xFFFFFFFF  }
0xad: {  	s28 =	simm.s32 $_size_execute0_lowered;
	s3 =	sadd.s32 s3, s5;
	[dreg:$0x0] =	wrdreg $0x0  }
0xae: {  	s5 =	sshll.u32 s28, $0x1;
	[dreg:$0x2] =	wrdreg s3  }
0xaf: {  	[dreg:$0x3] =	wrdreg s5  }
0xb0: {  	[dreg:$0x4] =	wrdreg $0xC0  }
0xb1: {  	_ =	task [dreg:s7], $0x5FFFF  }
0xb2: {  	[dreg:$0x1] =	wrdreg $0xFFFFFFFF  }
0xb3: {  	[dreg:$0x0] =	wrdreg $0x60  }
0xb4: {  	[dreg:$0x2] =	wrdreg s24  }
0xb5: {  	[dreg:$0x3] =	wrdreg s16  }
0xb6: {  	[dreg:$0x4] =	wrdreg $0x9  }
0xb7: {  	_ =	task.clear_ibuf [dreg:s7], $0x5FFFF;
	_ =	strace $0x90000046  }
0xb8: {  	s29 =	simm.s32 $0x9;
	_ =	strace $0x80000048  }
0xb9: {  	_ =	swait.ge [sflag:s29], $0x1  }
0xba: {  	[sflag:s29] =	ssyncadd.s32 $0xFFFFFFFF  }
0xbb: {  	_ =	strace $0x90000048  }
0xbc: {  	_ =	sfence  }
0xbd: {  	s30 =	sld [smem:$0x0];
	_ =	sdelay $0x2  }
0xbe: {  	s31 =	sshll.u32 s1, $0xD;
	s1 =	sshrl.u32 s1, $0x2  }
0xbf: {  	s3 =	sand.u32 $0x4000, s31;
	s1 =	sadd.s32 s1, s30  }
0xc0: {  	s0 =	sor.u32 s3, s0;
	s1 =	sshll.u32 s1, $0x11  }
0xc1: {  	s0 =	sor.u32 s1, s0  }
0xc2: {  	s0 =	sadd.s32 $0x8F2B, s0  }
0xc3: {  	[sflag:s0] =	ssyncadd.remote.s32 $0x1  }
0xc4: {  	_ =	sfence.sel $0xFFFF  }
0xc5: {  	[dreg:$0x0] =	wrdreg $0xFFFFFFFF;
	(pc) =	sbr.abs _section_cstart, $3  }
0xc6: {  	[dreg:$0x1] =	wrdreg $0xFFFFFFFF  }
0xc7: {  	_ =	task.clear_ibuf [dreg:s7], $0x2FFFF;
	_ =	strace $0x9FFFFFFF  }
0xc8: {  	(tm) =	ssettm $0x7FFFFFFF  }
0xc9: {  	_ =	shalt  }
tec
execute0_lowered:
.L_overlay_start_1:
0x0: {  	(tag) =	ssettag $0x1  }
0x1: {  	s0 =	rddreg [dreg:$0x0];
	s1 =	simm.s32 $0x0  }
0x2: {  	[smem:$0x7FF] =	sst s1  }
0x3: {  	s8 =	rddreg [dreg:$0x1];
	v0 =	vimm.s32 $0x80000000;
	_ =	strace $0x80000047  }
0x4: {  	(xrf0) =	vmax.scan.msk.u32 $0xffff, v0;
	_ =	sdelay $0x2  }
0x5: {  	s4 =	stileid.u32;
	s2 =	srdreg.scid  }
0x6: {  	s16 =	simm.s32 $0x1;
	s17 =	simm.s32 $0x10000;
	s18 =	simm.s32 $0x12000  }
0x7: {  	s19 =	simm.s32 $0x14000;
	s28 =	simm.s32 $0x0;
	s3 =	sshll.u32 s4, $0x1  }
0x8: {  	s2 =	sand.u32 $0x1, s2;
	s7 =	sshrl.u32 s4, $0x2;
	s6 =	sadd.s32 $0x1C00, s0;
	v0, _, _ =	vpop (xrf0)  }
0x9: {  	s3 =	sand.u32 $0x6, s3;
	s20 =	sshll.u32 s7, $0x13;
	s12 =	smul.u32 $0x3, s7;
	(v2sf) =	vpush v0, $0xF  }
0xa: {  	s4 =	sshll.u32 s7, $0xA;
	s21 =	sshll.u32 s7, $0xC;
	s22 =	smul.u32 $0xC00, s7  }
0xb: {  	s26 =	smul.u32 $0x18000, s7;
	s9 =	sor.u32 s2, s3;
	s2 =	ssub.s32 $0x2, s2  }
0xc: {  	s10 =	sshll.u32 s9, $0x7;
	s5 =	sshrl.u32 s2, $0x1;
	s14 =	sadd.s32 $0x1, s12  }
0xd: {  	s12 =	sadd.s32 $0x2, s12;
	s24 =	sshll.u32 s9, $0x9;
	s3 =	sor.u32 s20, s10  }
0xe: {  	s4 =	sor.u32 s4, s10;
	s13 =	ssub.s32 s2, s5;
	s23 =	sshll.u32 s14, $0xA  }
0xf: {  	s15 =	sshll.u32 s12, $0xA;
	s29 =	sor.u32 s26, s10;
	s30 =	sshll.u32 s14, $0xF  }
0x10: {  	s12 =	sshll.u32 s12, $0xF;
	s14 =	simm.s32 $0x80;
	s26 =	simm.s32 $0x192C0  }
0x11: {  	s3 =	sshrl.u32 s3, $0x3;
	s4 =	sshrl.u32 s4, $0x3;
	s5 =	sadd.s32 s6, s23  }
0x12: {  	s12 =	sor.u32 s10, s12;
	s13 =	smax.u32 s13, $0x1;
	s23 =	simm.s32 $0x172C0  }
0x13: {  	s3 =	sadd.s32 s3, s0;
	s11 =	sadd.s32 s4, s0;
	s0 =	sadd.s32 s21, s0  }
0x14: {  	s4 =	sadd.s32 s6, s22;
	s6 =	sadd.s32 s6, s15;
	s12 =	sshrl.u32 s12, $0x3  }
0x15: {  	s15 =	simm.s32 $0x400;
	s21 =	simm.s32 $0x16000;
	s22 =	simm.s32 $0x16180  }
.Ltmp0:
0x16: {  	s3 =	sadd.s32 $0x4C00, s3;
	s0 =	sadd.s32 s24, s0;
	(pc) =	sbr.rel .LBB2_1-.Ltmp0, $4  }
0x17: {  	s7 =	sadd.s32 $0x1600, s11;
	s11 =	sor.u32 s10, s30;
	s12 =	sadd.s32 s8, s12;
	v0 =	vlaneseq.u32  }
0x18: {  	s9 =	sadd.s32 $0x44C00, s0;
	s0 =	sshrl.u32 s29, $0x3;
	v1 =	vmul.u32 $0x80, v0;
	s25 =	spop (v2sf)  }
0x19: {  	s31 =	sshrl.u32 s11, $0x3;
	s10 =	sadd.s32 s8, s0;
	s2 =	sxor.u32 $0x80000000, s25  }
0x1a: {  	s11 =	sadd.s32 s8, s31;
	v2 =	vor.u32 $0x10, v0;
	v3 =	vor.u32 $0x1000, v1;
	v4 =	vor.u32 $0x2000, v1;
	s25 =	simm.s32 $0x182C0;
	p0 =	sgt.s32 s2, $0x1F  }
.LBB2_7:
0x1b: {  	s0 =	simm.s32 $0x162C0  }
0x1c: {  	[hbm4b:s9+s1] =	stream.linear.scatter [tilespmem:s0], [sflag:$0x1], $0x1000, $0x38;
	[tilespmem:$0x1A2C0] =	vst v63  }
0x1d: {  	_ =	swait.ge [sflag:s16], $0x1000  }
0x1e: {  	[sflag:s16] =	ssyncset.done $0x0  }
0x1f: {  	[sflag:s16] =	ssyncadd.s32 $0xFFFFF000  }
0x20: {  	[hbm4b:s10+s14] =	stream.strided.scatter [tilespmem:s23], [sflag:$0x1], $0x1000, s15, s14, $0x38;
	[tilespmem:$0x1A2C0] =	vst v63  }
0x21: {  	_ =	swait.ge [sflag:s16], $0x1000  }
0x22: {  	[sflag:s16] =	ssyncset.done $0x0  }
0x23: {  	[sflag:s16] =	ssyncadd.s32 $0xFFFFF000  }
0x24: {  	[hbm4b:s11+s14] =	stream.strided.scatter [tilespmem:s25], [sflag:$0x1], $0x1000, s15, s14, $0x38;
	[tilespmem:$0x1A2C0] =	vst v63  }
0x25: {  	s28 =	sadd.s32 $0x1, s28;
	_ =	swait.ge [sflag:s16], $0x1000  }
0x26: {  	p1 =	sne.s32 s28, s13;
	[sflag:s16] =	ssyncset.done $0x0  }
.Ltmp1:
0x27: {  	[sflag:s16] =	ssyncadd.s32 $0xFFFFF000;
	(pc) =	sbr.rel @!p1 .LBB2_8-.Ltmp1, $4  }
0x28: {  	[hbm4b:s12+s14] =	stream.strided.scatter [tilespmem:s26], [sflag:$0x1], $0x1000, s15, s14, $0x38;
	[tilespmem:$0x1A2C0] =	vst v63  }
0x29: {  	_ =	swait.ge [sflag:s16], $0x1000  }
0x2a: {  	[sflag:s16] =	ssyncset.done $0x0  }
0x2b: {  	[sflag:s16] =	ssyncadd.s32 $0xFFFFF000  }
.LBB2_1:
0x2c: {  	[tilespmem:s1], [sflag:$0x1] =	stream.strided.gather [hbm4b:s3+s14], $0x10000, s15, s14, $0x38;
	[tilespmem:$0x1A2C0] =	vst v63  }
0x2d: {  	_ =	swait.ge [sflag:s16], $0x10000  }
0x2e: {  	[sflag:s16] =	ssyncset.done $0x0  }
0x2f: {  	[sflag:s16] =	ssyncadd.s32 $0xFFFF0000  }
0x30: {  	[tilespmem:s17], [sflag:$0x1] =	stream.linear.gather [hbm4b:s4+s1], $0x2000, $0x38;
	[tilespmem:$0x1A2C0] =	vst v63  }
0x31: {  	_ =	swait.ge [sflag:s16], $0x2000  }
0x32: {  	[sflag:s16] =	ssyncset.done $0x0  }
0x33: {  	[sflag:s16] =	ssyncadd.s32 $0xFFFFE000  }
0x34: {  	[tilespmem:s18], [sflag:$0x1] =	stream.linear.gather [hbm4b:s5+s1], $0x2000, $0x38;
	[tilespmem:$0x1A2C0] =	vst v63  }
0x35: {  	_ =	swait.ge [sflag:s16], $0x2000  }
0x36: {  	[sflag:s16] =	ssyncset.done $0x0  }
0x37: {  	[sflag:s16] =	ssyncadd.s32 $0xFFFFE000  }
0x38: {  	[tilespmem:s19], [sflag:$0x1] =	stream.linear.gather [hbm4b:s6+s1], $0x2000, $0x38;
	[tilespmem:$0x1A2C0] =	vst v63  }
0x39: {  	_ =	swait.ge [sflag:s16], $0x2000  }
0x3a: {  	[sflag:s16] =	ssyncset.done $0x0  }
.Ltmp2:
0x3b: {  	s0 =	simm.s32 $0x1000;
	[sflag:s16] =	ssyncadd.s32 $0xFFFFE000;
	(pc) =	sbr.rel .LBB2_2-.Ltmp2, $4  }
0x3c: {  	[tilespmem:s21], [sflag:$0x1] =	stream.strided.gather [hbm4b:s7+s14], $0x180, s0, s14, $0x38;
	[tilespmem:$0x1A2C0] =	vst v63  }
0x3d: {  	_ =	swait.ge [sflag:s16], $0x180  }
0x3e: {  	[sflag:s16] =	ssyncset.done $0x0  }
0x3f: {  	s29 =	simm.s32 $0x0;
	[sflag:s16] =	ssyncadd.s32 $0xFFFFFE80  }
.LBB2_5:
0x40: {  	s8 =	smov.u32 @p1 s8  }
.LBB2_6:
0x41: {  	v9 =	vld.msk [tilespmem:s22+$0x0], $0xffff  }
0x42: {  	v10 =	vld [tilespmem:$0x16180];
	_ =	sdelay $0x1  }
0x43: {  	v11 =	vmov s8  }
0x44: {  	v12 =	vld [tilespmem:$0x16190];
	vm0 =	vgt.s32 v11, $0x0  }
0x45: {  	vm14 =	vgt.s32 v11, v0;
	v9 =	vnsel vm0, $0x0, v9  }
0x46: {  	v10 =	vsel vm14, v10, v9  }
0x47: {  	s0 =	sshll.u32 s29, $0x5  }
0x48: {  	vm15 =	vgt.s32 v11, v2;
	s0 =	sand.u32 $0x3FFFFFE0, s0  }
0x49: {  	v9 =	vsel vm15, v12, v9;
	[tilespmem:s0+$0x162C0] =	vst v10  }
0x4a: {  	[tilespmem:s0+$0x162D0] =	vst v9  }
0x4b: {  	v56 =	vld.idx.msk [tilespmem:v10+s17+$0x0], $0xffff;
	_ =	sdelay $0x1  }
0x4c: {  	v57 =	vor.u32 v1, v5;
	_ =	sdelay $0x2  }
0x4d: {  	v11 =	vsub.f32 v56, v8;
	_ =	sdelay $0x1  }
0x4e: {  	[tilespmem:v57+s23+$0x0] =	vst.idx.msk $0xffff, v11  }
0x4f: {  	v11 =	vld.idx.msk [tilespmem:v10+s18+$0x0], $0xffff;
	_ =	sdelay $0x1  }
0x50: {  	v58 =	vor.u32 v3, v5;
	_ =	sdelay $0x2  }
0x51: {  	v11 =	vsub.f32 v11, v7;
	_ =	sdelay $0x1  }
0x52: {  	[tilespmem:v58+s23+$0x0] =	vst.idx.msk $0xffff, v11  }
0x53: {  	v10 =	vld.idx.msk [tilespmem:v10+s19+$0x0], $0xffff;
	_ =	sdelay $0x1  }
0x54: {  	v59 =	vor.u32 v4, v5;
	_ =	sdelay $0x2  }
0x55: {  	v10 =	vsub.f32 v10, v6;
	_ =	sdelay $0x1  }
0x56: {  	[tilespmem:v59+s23+$0x0] =	vst.idx.msk $0xffff, v10  }
0x57: {  	v10 =	vld.idx.msk [tilespmem:v9+s17+$0x0], $0xffff  }
0x58: {  	v60 =	vor.u32 $0x800, v1  }
0x59: {  	v11 =	vor.u32 v60, v5;
	_ =	sdelay $0x2  }
0x5a: {  	v61 =	vsub.f32 v10, v8;
	_ =	sdelay $0x1  }
0x5b: {  	[tilespmem:v11+s23+$0x0] =	vst.idx.msk $0xffff, v61  }
0x5c: {  	v8 =	vld.idx.msk [tilespmem:v9+s18+$0x0], $0xffff  }
0x5d: {  	v62 =	vor.u32 $0x1800, v1  }
0x5e: {  	v10 =	vor.u32 v62, v5;
	_ =	sdelay $0x2  }
0x5f: {  	v7 =	vsub.f32 v8, v7;
	_ =	sdelay $0x1  }
0x60: {  	[tilespmem:v10+s23+$0x0] =	vst.idx.msk $0xffff, v7  }
0x61: {  	v7 =	vld.idx.msk [tilespmem:v9+s19+$0x0], $0xffff  }
0x62: {  	v63 =	vor.u32 $0x2800, v1;
	s29 =	sadd.s32 $0x1, s29  }
0x63: {  	p1 =	sne.s32 s29, $0x80;
	v5 =	vor.u32 v63, v5  }
.Ltmp3:
0x64: {  	_ = 	snop;
	(pc) =	sbr.rel @!p1 .LBB2_7-.Ltmp3, $3  }
0x65: {  	_ = 	snop  }
0x66: {  	v6 =	vsub.f32 v7, v6;
	_ =	sdelay $0x1  }
0x67: {  	[tilespmem:v5+s23+$0x0] =	vst.idx.msk $0xffff, v6  }
.LBB2_2:
0x68: {  	v6 =	vmov s29  }
0x69: {  	v5 =	vand.u32 $0x7F, v6  }
0x6a: {  	v7 =	vor.u32 $0x80, v5  }
0x6b: {  	v9 =	vor.u32 $0x100, v5  }
.Ltmp4:
0x6c: {  	_ = 	snop;
	(pc) =	sbr.rel @p0 .LBB2_6-.Ltmp4, $4  }
0x6d: {  	_ = 	snop  }
0x6e: {  	v8 =	vld.idx.msk [tilespmem:v6+s21+$0x0], $0xffff  }
0x6f: {  	v7 =	vld.idx.msk [tilespmem:v7+s21+$0x0], $0xffff  }
0x70: {  	s8 =	smov.u32 s2;
	v6 =	vld.idx.msk [tilespmem:v9+s21+$0x0], $0xffff  }
0x71: {  	v9 =	vimm.s32 $0x0;
	s30 =	simm.s32 $0xF0;
	s0 =	simm.s32 $0x0;
	s31 =	simm.s32 $0x0  }
.LBB2_4:
0x72: {  	v10 =	vmov s31  }
0x73: {  	v10 =	vshll.u32 v10, $0x7  }
0x74: {  	v10 =	vor.u32 v1, v10  }
0x75: {  	v10 =	vor.u32 v5, v10;
	_ =	sdelay $0x4  }
0x76: {  	v10 =	vld.idx.msk [tilespmem:v10+s1+$0x0], $0xffff;
	_ =	sdelay $0x4  }
0x77: {  	v11 =	vbroadcast v10, $0x0;
	v12 =	vbroadcast v10, $0x1  }
0x78: {  	v13 =	vbroadcast v10, $0x2;
	v16 =	vbroadcast v10, $0x3  }
0x79: {  	v18 =	vbroadcast v10, $0x4;
	v19 =	vbroadcast v10, $0x5  }
0x7a: {  	v22 =	vbroadcast v10, $0x6;
	v24 =	vbroadcast v10, $0x7  }
0x7b: {  	v25 =	vbroadcast v10, $0x8;
	v28 =	vbroadcast v10, $0x9  }
0x7c: {  	v30 =	vbroadcast v10, $0xA;
	v31 =	vbroadcast v10, $0xB  }
0x7d: {  	v49 =	vbroadcast v10, $0xC;
	v52 =	vbroadcast v10, $0xD  }
0x7e: {  	v54 =	vbroadcast v10, $0xE;
	v10 =	vbroadcast v10, $0xF;
	v11 =	vshrl.u32 v11, v0  }
0x7f: {  	v12 =	vshrl.u32 v12, v0;
	v13 =	vshrl.u32 v13, v0;
	v16 =	vshrl.u32 v16, v0  }
0x80: {  	v18 =	vshrl.u32 v18, v0;
	v19 =	vshrl.u32 v19, v0;
	v22 =	vshrl.u32 v22, v0  }
0x81: {  	v24 =	vshrl.u32 v24, v0;
	v25 =	vshrl.u32 v25, v0;
	v28 =	vshrl.u32 v28, v0  }
0x82: {  	v44 =	vshrl.u32 v30, v0;
	v46 =	vshrl.u32 v31, v0;
	v51 =	vshrl.u32 v49, v0  }
0x83: {  	v55 =	vshrl.u32 v52, v0;
	v10 =	vshrl.u32 v10, v0;
	v11 =	vand.u32 $0x1, v11  }
0x84: {  	v12 =	vand.u32 $0x1, v12;
	v13 =	vand.u32 $0x1, v13;
	v16 =	vand.u32 $0x1, v16  }
0x85: {  	v18 =	vand.u32 $0x1, v18;
	v19 =	vand.u32 $0x1, v19;
	v22 =	vand.u32 $0x1, v22  }
0x86: {  	v24 =	vand.u32 $0x1, v24;
	v25 =	vand.u32 $0x1, v25;
	v28 =	vand.u32 $0x1, v28  }
0x87: {  	v45 =	vand.u32 $0x1, v44;
	v10 =	vand.u32 $0x1, v10;
	vm2 =	veq.s32 v11, $0x1  }
0x88: {  	vm1 =	veq.s32 v12, $0x1;
	vm0 =	veq.s32 v13, $0x1;
	v14 =	vmpcnt.ones.xlane vm2  }
0x89: {  	vm5 =	veq.s32 v16, $0x1;
	vm4 =	veq.s32 v18, $0x1;
	v15 =	vmpcnt.ones.xlane vm1  }
0x8a: {  	vm3 =	veq.s32 v19, $0x1;
	v17 =	vmpcnt.ones.xlane vm0;
	v14 =	vadd.s32 v9, v14  }
0x8b: {  	vm8 =	veq.s32 v22, $0x1;
	v20 =	vmpcnt.ones.xlane vm5;
	v15 =	vadd.s32 v14, v15  }
0x8c: {  	vm7 =	veq.s32 v24, $0x1;
	(xrf0) =	vadd.scan.msk.s32 $0xffff, v11;
	v21 =	vmpcnt.ones.xlane vm4;
	v17 =	vadd.s32 v15, v17  }
0x8d: {  	vm6 =	veq.s32 v25, $0x1;
	v23 =	vmpcnt.ones.xlane vm3;
	(xrf0) =	vadd.scan.msk.s32 $0xffff, v12;
	v20 =	vadd.s32 v17, v20  }
0x8e: {  	vm9 =	veq.s32 v28, $0x1;
	v26 =	vmpcnt.ones.xlane vm8;
	(xrf0) =	vadd.scan.msk.s32 $0xffff, v13;
	v21 =	vadd.s32 v20, v21  }
0x8f: {  	vm10 =	veq.s32 v45, $0x1;
	v27 =	vmpcnt.ones.xlane vm7;
	(xrf0) =	vadd.scan.msk.s32 $0xffff, v16;
	v23 =	vadd.s32 v21, v23  }
0x90: {  	v29 =	vmpcnt.ones.xlane vm6;
	v47 =	vmpcnt.ones.xlane vm9;
	(xrf0) =	vadd.scan.msk.s32 $0xffff, v18;
	v26 =	vadd.s32 v23, v26  }
0x91: {  	v48 =	vmpcnt.ones.xlane vm10;
	(xrf0) =	vadd.scan.msk.s32 $0xffff, v19;
	v19 =	vand.u32 $0x1, v51;
	v27 =	vadd.s32 v26, v27  }
0x92: {  	v53, _, _ =	vpop (xrf0);
	(xrf0) =	vadd.scan.msk.s32 $0xffff, v22;
	vm12 =	veq.s32 v19, $0x1;
	v11 =	vadd.s32 v27, v29;
	v29 =	vand.u32 $0x1, v46  }
0x93: {  	v22 =	vshrl.u32 v54, v0;
	v32, _, _ =	vpop (xrf0);
	(xrf0) =	vadd.scan.msk.s32 $0xffff, v24;
	v57 =	vmpcnt.ones.xlane vm12;
	vm11 =	veq.s32 v29, $0x1  }
0x94: {  	v24 =	vand.u32 $0x1, v55;
	v56, _, _ =	vpop (xrf0);
	(xrf0) =	vadd.scan.msk.s32 $0xffff, v25;
	v13 =	vadd.s32 v11, v47;
	v50 =	vmpcnt.ones.xlane vm11  }
0x95: {  	v22 =	vand.u32 $0x1, v22;
	vm13 =	veq.s32 v24, $0x1;
	v33, _, _ =	vpop (xrf0);
	(xrf0) =	vadd.scan.msk.s32 $0xffff, v28;
	v16 =	vadd.s32 v13, v48  }
0x96: {  	vm14 =	veq.s32 v22, $0x1;
	v59 =	vmpcnt.ones.xlane vm13;
	v58, _, _ =	vpop (xrf0);
	(xrf0) =	vadd.scan.msk.s32 $0xffff, v45;
	v18 =	vadd.s32 v16, v50  }
0x97: {  	vm15 =	veq.s32 v10, $0x1;
	v60 =	vmpcnt.ones.xlane vm14;
	v34, _, _ =	vpop (xrf0);
	(xrf0) =	vadd.scan.msk.s32 $0xffff, v29;
	v25 =	vadd.s32 v18, v57  }
0x98: {  	v61 =	vmpcnt.ones.xlane vm15;
	v35, _, _ =	vpop (xrf0);
	(xrf0) =	vadd.scan.msk.s32 $0xffff, v19;
	v12 =	vadd.s32 v25, v59  }
0x99: {  	v36, _, _ =	vpop (xrf0);
	(xrf0) =	vadd.scan.msk.s32 $0xffff, v24;
	v62 =	vadd.s32 v12, v60  }
0x9a: {  	v31 =	vadd.s32 v53, v9;
	v63, _, _ =	vpop (xrf0);
	(xrf0) =	vadd.scan.msk.s32 $0xffff, v22;
	v9 =	vadd.s32 v62, v61  }
0x9b: {  	v44, _, _ =	vpop (xrf0);
	(xrf0) =	vadd.scan.msk.s32 $0xffff, v10;
	v10 =	vxor.u32 $0x80000000, v9;
	_ =	sdelay $0x1  }
0x9c: {  	v45, _, _ =	vpop (xrf0);
	(xrf0) =	vmax.scan.msk.u32 $0xffff, v10  }
0x9d: {  	v10, _, _ =	vpop (xrf0)  }
0x9e: {  	v37, _, _ =	vpop (xrf0)  }
0x9f: {  	v38, _, _ =	vpop (xrf0)  }
0xa0: {  	v39, _, _ =	vpop (xrf0)  }
0xa1: {  	v40, _, _ =	vpop (xrf0)  }
0xa2: {  	v31 =	vadd.s32 $0xFFFFFFFF, v31;
	v14 =	vadd.s32 v32, v14;
	v46, _, _ =	vpop (xrf0)  }
0xa3: {  	v15 =	vadd.s32 v15, v56;
	v14 =	vadd.s32 $0xFFFFFFFF, v14;
	(v2sf) =	vpush v46, $0xF  }
0xa4: {  	v17 =	vadd.s32 v17, v33;
	v15 =	vadd.s32 $0xFFFFFFFF, v15  }
0xa5: {  	s8 =	sadd.s32 $0xFFFFFF10, s30;
	v20 =	vadd.s32 v20, v58;
	v17 =	vadd.s32 $0xFFFFFFFF, v17  }
0xa6: {  	s24 =	sadd.s32 $0xFFFFFF20, s30;
	v21 =	vadd.s32 v21, v34;
	v47 =	vor.u32 s8, v0;
	v20 =	vadd.s32 $0xFFFFFFFF, v20  }
0xa7: {  	s20 =	sadd.s32 $0xFFFFFF30, s30;
	[tilespmem:v31+s22+$0x0] =	vst.idx.msk vm2, v47;
	v23 =	vadd.s32 v23, v35;
	v48 =	vor.u32 s24, v0;
	v21 =	vadd.s32 $0xFFFFFFFF, v21  }
0xa8: {  	s24 =	sadd.s32 $0xFFFFFF40, s30;
	[tilespmem:v14+s22+$0x0] =	vst.idx.msk vm1, v48;
	v49 =	vadd.s32 v26, v36;
	v23 =	vadd.s32 $0xFFFFFFFF, v23;
	v50 =	vor.u32 s20, v0  }
0xa9: {  	v52 =	vor.u32 s24, v0;
	v51 =	vadd.s32 v27, v63;
	s20 =	sadd.s32 $0xFFFFFF50, s30;
	v14 =	vadd.s32 $0xFFFFFFFF, v49;
	[tilespmem:v15+s22+$0x0] =	vst.idx.msk vm0, v50  }
0xaa: {  	s24 =	sadd.s32 $0xFFFFFF60, s30;
	v11 =	vadd.s32 v11, v44;
	v53 =	vor.u32 s20, v0;
	v15 =	vadd.s32 $0xFFFFFFFF, v51;
	[tilespmem:v17+s22+$0x0] =	vst.idx.msk vm5, v52  }
0xab: {  	v54 =	vor.u32 s24, v0;
	s20 =	sadd.s32 $0xFFFFFF70, s30;
	v13 =	vadd.s32 v13, v45;
	v11 =	vadd.s32 $0xFFFFFFFF, v11;
	[tilespmem:v20+s22+$0x0] =	vst.idx.msk vm4, v53  }
0xac: {  	s24 =	sadd.s32 $0xFFFFFF80, s30;
	v55 =	vor.u32 s20, v0;
	v13 =	vadd.s32 $0xFFFFFFFF, v13;
	[tilespmem:v21+s22+$0x0] =	vst.idx.msk vm3, v54;
	v10 =	vadd.s32 v16, v10  }
0xad: {  	v57 =	vor.u32 s24, v0;
	s20 =	sadd.s32 $0xFFFFFF90, s30;
	[tilespmem:v23+s22+$0x0] =	vst.idx.msk vm8, v55;
	v10 =	vadd.s32 $0xFFFFFFFF, v10  }
0xae: {  	s24 =	sadd.s32 $0xFFFFFFA0, s30;
	v59 =	vor.u32 s20, v0;
	[tilespmem:v14+s22+$0x0] =	vst.idx.msk vm7, v57  }
0xaf: {  	v60 =	vor.u32 s24, v0;
	s20 =	sadd.s32 $0xFFFFFFB0, s30;
	[tilespmem:v15+s22+$0x0] =	vst.idx.msk vm6, v59  }
0xb0: {  	s24 =	sadd.s32 $0xFFFFFFC0, s30;
	v61 =	vor.u32 s20, v0;
	[tilespmem:v11+s22+$0x0] =	vst.idx.msk vm9, v60  }
0xb1: {  	s20 =	sadd.s32 $0xFFFFFFD0, s30;
	[tilespmem:v13+s22+$0x0] =	vst.idx.msk vm10, v61;
	v56 =	vadd.s32 v18, v37;
	v11 =	vadd.s32 v62, v40;
	v62 =	vor.u32 s24, v0  }
0xb2: {  	v58 =	vadd.s32 v25, v38;
	v16 =	vadd.s32 $0xFFFFFFFF, v56;
	[tilespmem:v10+s22+$0x0] =	vst.idx.msk vm11, v62;
	v10 =	vor.u32 s20, v0;
	s20 =	spop (v2sf)  }
0xb3: {  	p1 =	sgt.u32 s0, $0x1E;
	v12 =	vadd.s32 v12, v39;
	v14 =	vadd.s32 $0xFFFFFFFF, v58;
	s8 =	sxor.u32 $0x80000000, s20  }
0xb4: {  	v12 =	vadd.s32 $0xFFFFFFFF, v12;
	p2 =	slt.s32 @!p1 s8, $0x20  }
0xb5: {  	v11 =	vadd.s32 $0xFFFFFFFF, v11;
	p2 =	por p1, !p2  }
.Ltmp5:
0xb6: {  	s24 =	sadd.s32 $0xFFFFFFE0, s30;
	(pc) =	sbr.rel @!p2 .LBB2_4-.Ltmp5, $4  }
0xb7: {  	[tilespmem:v16+s22+$0x0] =	vst.idx.msk vm12, v10;
	v10 =	vor.u32 s24, v0;
	s24 =	sadd.s32 $0xFFFFFFF0, s30  }
0xb8: {  	v63 =	vor.u32 s24, v0;
	[tilespmem:v14+s22+$0x0] =	vst.idx.msk vm13, v10  }
0xb9: {  	v10 =	vor.u32 s30, v0;
	[tilespmem:v12+s22+$0x0] =	vst.idx.msk vm14, v63  }
0xba: {  	s0 =	sadd.s32 $0x1, s0;
	s31 =	sadd.s32 $0x10, s31;
	s30 =	sadd.s32 $0x100, s30;
	[tilespmem:v11+s22+$0x0] =	vst.idx.msk vm15, v10  }
.Ltmp6:
0xbb: {  	_ = 	snop;
	(pc) =	sbr.rel .LBB2_5-.Ltmp6, $1  }
0xbc: {  	_ =	sdelay $0x3  }
.LBB2_8:
0xbd: {  	_ =	sfence.sel $0x180000  }
0xbe: {  	[bflag:$0x0] =	sbarrier.arrive $0xFFFF  }
0xbf: {  	_ =	strace $0x90000047  }
0xc0: {  	s0 =	stileid.u32;
	[bflag:$0x2] =	sbarrier.arrive $0xFFFF  }
0xc1: {  	p0 =	sne.s32 s0, $0x0;
	s0 =	rddreg [dreg:$0x2]  }
0xc2: {  	s0 =	sadd.s32 @!p0 $0x100000, s0  }
0xc3: {  	[sflag:s0] =	ssyncadd.tile.s32 @!p0 $0x1;
	_ =	shalt  }
.Lfunc_end2:
_tile_overlayer_lowered:
.L_overlay_start_2:
0xc4: {  	(tag) =	ssettag $0x2  }
0xc5: {  	s0 =	rddreg [dreg:$0x0];
	s2 =	stileid.u32  }
0xc6: {  	s1 =	rddreg [dreg:$0x1];
	p0 =	sne.s32 s2, $0x0  }
0xc7: {  	s3 =	rddreg [dreg:$0x2];
	[bflag:$0x3] =	sbarrier.arrive $0xFFFF;
	s2 =	simm.s32 @!p0 $0x1C01  }
0xc8: {  	[timem:s3], [sflag:s2] =	dma.local @!p0 [hbm:s0], s1  }
0xc9: {  	s0 =	simm.s32 @!p0 $0x1  }
0xca: {  	_ =	swait.ge @!p0 [sflag:s0], s1  }
0xcb: {  	s1 =	ssub.s32 @!p0 $0x0, s1;
	[sflag:s0] =	ssyncset.done @!p0 $0x0  }
0xcc: {  	[sflag:s0] =	ssyncadd.s32 @!p0 s1  }
0xcd: {  	[bflag:$0x3] =	sbarrier.arrive $0xFFFF  }
0xce: {  	_ =	shalt  }

// kernel: kernel.8.cloned.1.call-start
scs
__scs_entry_jumppad:
0x0: {  	(pc) =	sbr.rel $0x88, $3  }
0x1: {  	(tag) =	ssettag $0x0;
	lr =	simm.s32 $0x1  }
0x2: {  	[smem:$0x3F9E] =	sst lr;
	_ =	strace $0xD0000000  }
0x3: {  	_ = 	snop  }
0x4: {  	_ = 	snop  }
0x5: {  	_ = 	snop  }
0x6: {  	_ = 	snop  }
0x7: {  	_ = 	snop  }
__scs_overlays_trampoline_lowered:
0x8: {  	[smem:$0x3FAD] =	sst s0  }
0x9: {  	[smem:$0x3FAE] =	sst s1  }
0xa: {  	[smem:$0x3FAF] =	sst s2  }
0xb: {  	[smem:$0x3FB0] =	sst s3  }
0xc: {  	[smem:$0x3FB1] =	sst s4  }
0xd: {  	[smem:$0x3FB2] =	sst s5  }
0xe: {  	[smem:$0x3FB3] =	sst s6  }
0xf: {  	[smem:$0x3FB4] =	sst s7  }
0x10: {  	[smem:$0x3FB5] =	sst s8  }
0x11: {  	[smem:$0x3FB6] =	sst s9;
	s0 =	simm.s32 @!p0 $0x0  }
0x12: {  	s1 =	sld [smem:$0x3F9C];
	s0 =	simm.s32 @p0 $0x1  }
0x13: {  	[smem:$0x3FB7] =	sst s0;
	s0 =	simm.s32 @!p1 $0x0  }
0x14: {  	s2 =	sld [smem:$0x3F9B];
	s0 =	simm.s32 @p1 $0x1  }
0x15: {  	[smem:$0x3FB8] =	sst s0;
	s0 =	simm.s32 @!p2 $0x0  }
0x16: {  	s3 =	sld [smem:$0x3FDB];
	s0 =	simm.s32 @p2 $0x1  }
0x17: {  	s4 =	simm.s32 $0x1BF5;
	[smem:$0x3FBA] =	sst s0  }
0x18: {  	s0 =	sld [smem:$0x3F9D];
	_ =	swait.ge [sflag:s4], $0x0  }
0x19: {  	s7 =	sld [smem:$0x3F9E]  }
0x1a: {  	s8 =	sadd.s32 $0xFFFFE003, lr  }
0x1b: {  	s9 =	sadd.s32 $0xFFFFFEF7, lr;
	s5 =	simm.s32 $0xFFFFFFFF;
	p2 =	slt.u32 s8, $0xFFFFF086  }
0x1c: {  	p1 =	slt.u32 s9, $0xF7A;
	s5 =	simm.s32 @!p2 $0x0  }
0x1d: {  	s5 =	simm.s32 @p1 $0x1;
	p0 =	seq.s32 s7, s2  }
0x1e: {  	s7 =	smul.u32 @!p0 $0xF7A, s2;
	p2 =	seq.s32 @!p0 s5, $0x0  }
0x1f: {  	s9 =	smul.u32 $0xF7A, s1;
	s8 =	simm.s32 @!p0 $0x1BF5;
	p2 =	por !p2, p0  }
0x20: {  	[sflag:s8] =	ssyncset.s32 @!p0 $0xFFFFF086;
	s6 =	sadd.s32 @!p0 s3, s7;
	s7 =	simm.s32 @!p0 $0x108  }
0x21: {  	s3 =	sadd.s32 s3, s9;
	s6 =	sadd.s32 @!p0 $0x88, s6;
	s7 =	simm.s32 @p2 $0x1082  }
0x22: {  	[simem:s7], [sflag:s8] =	dma.local @!p0 [hbm:s6], $0xF7A  }
0x23: {  	s9 =	sor.u32 $0xD0000000, s2;
	s6 =	simm.s32 $0x108;
	_ =	swait.ge @!p0 [sflag:s8], $0x0  }
0x24: {  	s3 =	sadd.s32 $0x88, s3;
	s6 =	simm.s32 @!p1 $0x1082;
	[sflag:s4] =	ssyncset.s32 $0xFFFFF086  }
0x25: {  	[simem:s6], [sflag:s4] =	dma.local [hbm:s3], $0xF7A  }
0x26: {  	[smem:$0x3F9E] =	sst s1;
	(tag) =	ssettag s2;
	_ =	strace s9  }
0x27: {  	s1 =	sld [smem:$0x3FAE]  }
0x28: {  	s2 =	sld [smem:$0x3FAF]  }
0x29: {  	s4 =	sld [smem:$0x3FB1]  }
0x2a: {  	p0 =	seq.s32 s5, $0x0;
	s5 =	sld [smem:$0x3FB2]  }
0x2b: {  	s6 =	sld [smem:$0x3FB3]  }
0x2c: {  	s7 =	sld [smem:$0x3FB4]  }
0x2d: {  	s3 =	simm.s32 $0x108;
	s8 =	sld [smem:$0x3FB5]  }
0x2e: {  	s3 =	simm.s32 @!p0 $0x1082;
	s9 =	sld [smem:$0x3FB6]  }
0x2f: {  	lr =	sadd.s32 s0, s3;
	s0 =	sld [smem:$0x3FAD]  }
0x30: {  	s3 =	sld [smem:$0x3FB0]  }
0x31: {  	[smem:$0x3FB9] =	sst s10  }
0x32: {  	s10 =	sld [smem:$0x3FB7];
	_ =	sdelay $0x3  }
0x33: {  	p0 =	seq.s32 s10, $0x1;
	s10 =	sld [smem:$0x3FB9];
	_ =	sdelay $0x3  }
0x34: {  	[smem:$0x3FB9] =	sst s10  }
0x35: {  	s10 =	sld [smem:$0x3FB8];
	_ =	sdelay $0x3  }
0x36: {  	p1 =	seq.s32 s10, $0x1;
	s10 =	sld [smem:$0x3FB9];
	_ =	sdelay $0x3  }
0x37: {  	[smem:$0x3FB9] =	sst s10  }
0x38: {  	s10 =	sld [smem:$0x3FBA]  }
0x39: {  	_ = 	snop;
	(pc) =	sbr.ind lr, $3  }
0x3a: {  	_ = 	snop  }
0x3b: {  	_ = 	snop  }
0x3c: {  	p2 =	seq.s32 s10, $0x1;
	s10 =	sld [smem:$0x3FB9]  }
0x3d: {  	_ =	shalt  }
0x3e: {  	_ =	shalt  }
0x3f: {  	_ =	shalt  }
0x40: {  	_ =	shalt  }
0x41: {  	_ =	shalt  }
0x42: {  	_ =	shalt  }
0x43: {  	_ =	shalt  }
0x44: {  	_ =	shalt  }
0x45: {  	_ =	shalt  }
0x46: {  	_ =	shalt  }
0x47: {  	_ =	shalt  }
0x48: {  	_ =	shalt  }
0x49: {  	_ =	shalt  }
0x4a: {  	_ =	shalt  }
0x4b: {  	_ =	shalt  }
0x4c: {  	_ =	shalt  }
0x4d: {  	_ =	shalt  }
0x4e: {  	_ =	shalt  }
0x4f: {  	_ =	shalt  }
0x50: {  	_ =	shalt  }
0x51: {  	_ =	shalt  }
0x52: {  	_ =	shalt  }
0x53: {  	_ =	shalt  }
0x54: {  	_ =	shalt  }
0x55: {  	_ =	shalt  }
0x56: {  	_ =	shalt  }
0x57: {  	_ =	shalt  }
0x58: {  	_ =	shalt  }
0x59: {  	_ =	shalt  }
0x5a: {  	_ =	shalt  }
0x5b: {  	_ =	shalt  }
0x5c: {  	_ =	shalt  }
0x5d: {  	_ =	shalt  }
0x5e: {  	_ =	shalt  }
0x5f: {  	_ =	shalt  }
0x60: {  	_ =	shalt  }
0x61: {  	_ =	shalt  }
0x62: {  	_ =	shalt  }
0x63: {  	_ =	shalt  }
0x64: {  	_ =	shalt  }
0x65: {  	_ =	shalt  }
0x66: {  	_ =	shalt  }
0x67: {  	_ =	shalt  }
0x68: {  	_ =	shalt  }
0x69: {  	_ =	shalt  }
0x6a: {  	_ =	shalt  }
0x6b: {  	_ =	shalt  }
0x6c: {  	_ =	shalt  }
0x6d: {  	_ =	shalt  }
0x6e: {  	_ =	shalt  }
0x6f: {  	_ =	shalt  }
0x70: {  	_ =	shalt  }
0x71: {  	_ =	shalt  }
0x72: {  	_ =	shalt  }
0x73: {  	_ =	shalt  }
0x74: {  	_ =	shalt  }
0x75: {  	_ =	shalt  }
0x76: {  	_ =	shalt  }
0x77: {  	_ =	shalt  }
0x78: {  	_ =	shalt  }
0x79: {  	_ =	shalt  }
0x7a: {  	_ =	shalt  }
0x7b: {  	_ =	shalt  }
0x7c: {  	_ =	shalt  }
0x7d: {  	_ =	shalt  }
0x7e: {  	_ =	shalt  }
0x7f: {  	_ =	shalt  }
0x80: {  	_ =	shalt  }
0x81: {  	_ =	shalt  }
0x82: {  	_ =	shalt  }
0x83: {  	_ =	shalt  }
0x84: {  	_ =	shalt  }
0x85: {  	_ =	shalt  }
0x86: {  	_ =	shalt  }
0x87: {  	_ =	shalt  }
.Lfunc_end0:
.L_simem_size_0:
called_computation.1_lowered:
.L_overlay_start_0:
0x88: {  	s2 =	sld [smem:$0x3FD9]  }
0x89: {  	s3 =	sld [smem:$0x3FFE];
	_ =	sdelay $0x1  }
0x8a: {  	s1 =	srdreg.scid  }
0x8b: {  	s0 =	sand.u32 $0x1, s1  }
0x8c: {  	s14 =	sshll.u32 s0, $0xA;
	s2 =	sadd.s32 s3, s2  }
0x8d: {  	s2 =	sadd.s32 s2, s14  }
0x8e: {  	[smem:$0x3FC5] =	sst s2  }
0x8f: {  	_ = 	snop  }
0x90: {  	s2 =	sld [smem:$0x3FD0];
	_ =	sdelay $0x2  }
0x91: {  	s15 =	simm.s32 $0xA;
	s4 =	simm.s32 $0x10  }
0x92: {  	[smem:s4], [sflag:s15] =	dma.local [hbm:s2], $0x1  }
0x93: {  	_ =	swait.eq [sflag:s15], $0x1  }
0x94: {  	[sflag:s15] =	ssyncset.done $0x0  }
0x95: {  	[sflag:s15] =	ssyncadd.s32 $0xFFFFFFFF  }
0x96: {  	s16 =	sld [smem:$0x11];
	(tm) =	ssettm $0x1  }
0x97: {  	s17 =	sld [smem:$0x3FFB];
	_ =	sdelay $0x3  }
0x98: {  	_ =	strace s17  }
0x99: {  	s3 =	sld [smem:$0x3FFC];
	_ =	sdelay $0x3  }
0x9a: {  	_ =	strace s3  }
0x9b: {  	s3 =	sld [smem:$0x3FFD];
	_ =	sdelay $0x3  }
0x9c: {  	_ =	strace s3  }
0x9d: {  	_ =	strace $0x8FFFFFFF  }
0x9e: {  	s18 =	sld [smem:$0x3FDB];
	_ =	sdelay $0x1  }
0x9f: {  	s19 =	simm.s32 $_scs_section_size  }
0xa0: {  	s5 =	simm.s32 $_size__tile_overlayer_lowered;
	s6 =	simm.s32 $_tile_overlayer_lowered  }
0xa1: {  	s22 =	simm.s32 $0x1BFF;
	s21 =	sshll.u32 s6, $0x1;
	s3 =	sadd.s32 s19, s18  }
0xa2: {  	s7 =	simm.s32 $0x0;
	s20 =	sshll.u32 s5, $0x1;
	s5 =	sadd.s32 s21, s3  }
0xa3: {  	[timem:s7], [sflag:s22] =	dma.local [hbm:s5], s20  }
0xa4: {  	_ =	swait.ge [sflag:s22], s20  }
0xa5: {  	s4 =	ssub.s32 $0x0, s20;
	[sflag:s22] =	ssyncset.done $0x0  }
0xa6: {  	[sflag:s22] =	ssyncadd.s32 s4;
	_ =	sdelay $0x1  }
0xa7: {  	s23 =	simm.s32 $0x1B8B  }
0xa8: {  	_ =	swait.ge [sflag:s23], $0x1  }
0xa9: {  	[sflag:s23] =	ssyncset.done $0x0  }
0xaa: {  	s25 =	simm.s32 $0x1B8E;
	s24 =	sld [smem:$0x3FFE];
	[sflag:s23] =	ssyncadd.s32 $0xFFFFFFFF  }
0xab: {  	s26 =	simm.s32 $execute0_lowered;
	[smem:$0x3FD2] =	sst s25  }
0xac: {  	s5 =	sshll.u32 s26, $0x1;
	_ =	strace $0x80000049;
	[dreg:$0x1] =	wrdreg $0xFFFFFFFF  }
0xad: {  	s28 =	simm.s32 $_size_execute0_lowered;
	s3 =	sadd.s32 s3, s5;
	[dreg:$0x0] =	wrdreg $0x0  }
0xae: {  	s5 =	sshll.u32 s28, $0x1;
	[dreg:$0x2] =	wrdreg s3  }
0xaf: {  	[dreg:$0x3] =	wrdreg s5  }
0xb0: {  	[dreg:$0x4] =	wrdreg $0xC0  }
0xb1: {  	_ =	task [dreg:s7], $0x5FFFF  }
0xb2: {  	[dreg:$0x1] =	wrdreg $0xFFFFFFFF  }
0xb3: {  	[dreg:$0x0] =	wrdreg $0x60  }
0xb4: {  	[dreg:$0x2] =	wrdreg s24  }
0xb5: {  	[dreg:$0x3] =	wrdreg s16  }
0xb6: {  	[dreg:$0x4] =	wrdreg $0x9  }
0xb7: {  	_ =	task.clear_ibuf [dreg:s7], $0x5FFFF;
	_ =	strace $0x90000049  }
0xb8: {  	s29 =	simm.s32 $0x9;
	_ =	strace $0x8000004B  }
0xb9: {  	_ =	swait.ge [sflag:s29], $0x1  }
0xba: {  	[sflag:s29] =	ssyncadd.s32 $0xFFFFFFFF  }
0xbb: {  	_ =	strace $0x9000004B  }
0xbc: {  	_ =	sfence  }
0xbd: {  	s30 =	sld [smem:$0x0];
	_ =	sdelay $0x2  }
0xbe: {  	s31 =	sshll.u32 s1, $0xD;
	s1 =	sshrl.u32 s1, $0x2  }
0xbf: {  	s3 =	sand.u32 $0x4000, s31;
	s1 =	sadd.s32 s1, s30  }
0xc0: {  	s0 =	sor.u32 s3, s0;
	s1 =	sshll.u32 s1, $0x11  }
0xc1: {  	s0 =	sor.u32 s1, s0  }
0xc2: {  	s0 =	sadd.s32 $0x8F2B, s0  }
0xc3: {  	[sflag:s0] =	ssyncadd.remote.s32 $0x1  }
0xc4: {  	_ =	sfence.sel $0xFFFF  }
0xc5: {  	[dreg:$0x0] =	wrdreg $0xFFFFFFFF;
	(pc) =	sbr.abs _section_cstart, $3  }
0xc6: {  	[dreg:$0x1] =	wrdreg $0xFFFFFFFF  }
0xc7: {  	_ =	task.clear_ibuf [dreg:s7], $0x2FFFF;
	_ =	strace $0x9FFFFFFF  }
0xc8: {  	(tm) =	ssettm $0x7FFFFFFF  }
0xc9: {  	_ =	shalt  }
tec
execute0_lowered:
.L_overlay_start_1:
0x0: {  	(tag) =	ssettag $0x1  }
0x1: {  	s4 =	rddreg [dreg:$0x0]  }
0x2: {  	s2 =	rddreg [dreg:$0x1]  }
0x3: {  	s0 =	rddreg [dreg:$0x2];
	s3 =	simm.s32 $0x0  }
0x4: {  	s1 =	stileid.u32;
	s5 =	srdreg.scid;
	s11 =	simm.s32 $0x8000  }
0x5: {  	s12 =	simm.s32 $0xC000;
	s13 =	simm.s32 $0x14000;
	s14 =	simm.s32 $0x1  }
0x6: {  	s15 =	simm.s32 $0x2;
	s16 =	simm.s32 $0x0;
	[smem:$0x7FF] =	sst s3  }
0x7: {  	s7 =	sshrl.u32 s1, $0x2;
	s5 =	sand.u32 $0x1, s5;
	s9 =	sshll.u32 s1, $0x1  }
0x8: {  	_ =	strace $0x8000004A;
	s6 =	sshll.u32 s7, $0xC;
	s8 =	ssub.s32 $0x2, s5  }
0x9: {  	s9 =	sand.u32 $0x6, s9;
	s7 =	sshll.u32 s7, $0x7;
	s6 =	sadd.s32 s6, s4  }
0xa: {  	v0 =	vlaneseq.u32;
	s10 =	sshrl.u32 s8, $0x1;
	s4 =	sadd.s32 $0x48C00, s4;
	s5 =	sor.u32 s5, s9  }
0xb: {  	v0 =	vmul.u32 $0x20, v0;
	s10 =	ssub.s32 s8, s10;
	s5 =	sshll.u32 s5, $0x4;
	s6 =	sadd.s32 $0x44C00, s6  }
0xc: {  	s8 =	sor.u32 s5, s7;
	s9 =	smax.u32 s10, $0x1;
	s10 =	simm.s32 $0x3  }
.LBB2_1:
0xd: {  	[tilespmem:s3], [sflag:$0x3] =	stream.linear.gather [hbm4b:s6+s3], $0x8000, $0x38;
	[tilespmem:$0x1C000] =	vst v63  }
0xe: {  	_ =	swait.ge [sflag:s10], $0x8000  }
0xf: {  	[sflag:s10] =	ssyncset.done $0x0  }
0x10: {  	s17 =	simm.s32 $0x0;
	[sflag:s10] =	ssyncadd.s32 $0xFFFF8000  }
.LBB2_2:
0x11: {  	s18 =	sshll.u32 s17, $0x1  }
0x12: {  	s19 =	sadd.s32 s8, s18  }
0x13: {  	s19 =	sshll.u32 s19, $0xA  }
0x14: {  	s19 =	sand.u32 $0x1FFFF800, s19  }
0x15: {  	s19 =	sadd.s32 s2, s19  }
0x16: {  	[tilespmem:s11], [sflag:$0x3] =	stream.linear.gather [hbm4b:s19+s3], $0x4000, $0x38;
	[tilespmem:$0x1C000] =	vst v63  }
0x17: {  	_ =	swait.ge [sflag:s10], $0x4000  }
0x18: {  	p0 =	seq.s32 s17, $0x0;
	[sflag:s10] =	ssyncset.done $0x0  }
0x19: {  	s19 =	simm.s32 @!p0 $0x1;
	[sflag:s10] =	ssyncadd.s32 $0xFFFFC000  }
0x1a: {  	_ =	swait.ge @!p0 [sflag:s19], $0x8000  }
0x1b: {  	s20 =	simm.s32 $0xC020;
	[sflag:s19] =	ssyncset.done @!p0 $0x0  }
0x1c: {  	s18 =	sor.u32 s5, s18;
	[sflag:s19] =	ssyncadd.s32 @!p0 $0xFFFF8000;
	s19 =	simm.s32 $0x0  }
.LBB2_3:
0x1d: {  	s21 =	sadd.s32 $0x600, s19  }
0x1e: {  	v1 =	vor.u32 s21, v0  }
0x1f: {  	s24 =	sadd.s32 $0x200, s19  }
0x20: {  	v2 =	vor.u32 s24, v0  }
0x21: {  	s25 =	sadd.s32 $0x400, s19  }
0x22: {  	s26 =	sadd.s32 $0x800, s19;
	v3 =	vor.u32 s25, v0  }
0x23: {  	v4 =	vor.u32 s19, v0;
	s22 =	sadd.s32 $0x600, s26;
	v1 =	vld.idx.msk [tilespmem:v1+s3+$0x0], $0xffff  }
0x24: {  	s28 =	sadd.s32 $0x200, s26;
	v5 =	vor.u32 s22, v0  }
0x25: {  	v6 =	vld.idx.msk [tilespmem:v2+s3+$0x0], $0xffff;
	v2 =	vor.u32 s28, v0  }
0x26: {  	s29 =	sadd.s32 $0x400, s26  }
0x27: {  	v7 =	vld.idx.msk [tilespmem:v3+s3+$0x0], $0xffff;
	v3 =	vor.u32 s29, v0  }
0x28: {  	v8 =	vor.u32 s26, v0;
	v4 =	vld.idx.msk [tilespmem:v4+s3+$0x0], $0xffff  }
0x29: {  	v5 =	vld.idx.msk [tilespmem:v5+s3+$0x0], $0xffff  }
0x2a: {  	v2 =	vld.idx.msk [tilespmem:v2+s3+$0x0], $0xffff  }
0x2b: {  	s21 =	sadd.s32 $0x800, s26;
	v10 =	vld.idx.msk [tilespmem:v1+s11+$0x0], $0xffff  }
0x2c: {  	s30 =	sadd.s32 $0x600, s21;
	v1 =	vld.idx.msk [tilespmem:v3+s3+$0x0], $0xffff  }
0x2d: {  	s23 =	sadd.s32 $0x200, s21;
	v3 =	vld.idx.msk [tilespmem:v8+s3+$0x0], $0xffff;
	v8 =	vor.u32 s30, v0  }
0x2e: {  	s31 =	sadd.s32 $0x400, s21;
	v11 =	vor.u32 s23, v0;
	v12 =	vld.idx.msk [tilespmem:v6+s11+$0x0], $0xffff  }
0x2f: {  	v13 =	vor.u32 s31, v0;
	v14 =	vld.idx.msk [tilespmem:v7+s11+$0x0], $0xffff  }
0x30: {  	v9 =	vld.idx.msk [tilespmem:v4+s11+$0x0], $0xffff;
	v7 =	vor.u32 s21, v0  }
0x31: {  	v5 =	vld.idx.msk [tilespmem:v5+s11+$0x0], $0xffff  }
0x32: {  	[tilespmem:s20+$0x10] =	vst v10;
	v4 =	vld.idx.msk [tilespmem:v8+s3+$0x0], $0xffff  }
0x33: {  	v6 =	vld.idx.msk [tilespmem:v11+s3+$0x0], $0xffff;
	[tilespmem:s20+$0xFFFFFFF0] =	vst v12  }
0x34: {  	s22 =	simm.s32 $0x8;
	s23 =	sadd.s32 $0x800, s21;
	s21 =	smov.u32 s20;
	v8 =	vld.idx.msk [tilespmem:v13+s3+$0x0], $0xffff;
	[tilespmem:s20+$0x0] =	vst v14  }
.LBB2_4:
0x35: {  	s24 =	sadd.s32 $0x200, s23;
	s25 =	sadd.s32 $0x600, s23;
	s22 =	sadd.s32 $0x4, s22;
	v10 =	vld.idx.msk [tilespmem:v7+s3+$0x0], $0xffff;
	v7 =	vor.u32 s23, v0;
	[tilespmem:s21+$0xFFFFFFE0] =	vst v9  }
0x36: {  	s21 =	sadd.s32 $0x40, s21;
	v11 =	vor.u32 s24, v0;
	s24 =	sadd.s32 $0x400, s23;
	v12 =	vor.u32 s25, v0;
	p1 =	slt.u32 s22, $0x3C;
	v13 =	vld.idx.msk [tilespmem:v2+s11+$0x0], $0xffff  }
0x37: {  	v14 =	vor.u32 s24, v0;
	v15 =	vld.idx.msk [tilespmem:v1+s11+$0x0], $0xffff;
	[tilespmem:s21+$0x10] =	vst v5  }
0x38: {  	v9 =	vld.idx.msk [tilespmem:v3+s11+$0x0], $0xffff;
	v2 =	vmov v6  }
.Ltmp0:
0x39: {  	v1 =	vmov v8;
	(pc) =	sbr.rel @p1 .LBB2_4-.Ltmp0, $4  }
0x3a: {  	v5 =	vld.idx.msk [tilespmem:v4+s11+$0x0], $0xffff;
	v3 =	vmov v10  }
0x3b: {  	v4 =	vld.idx.msk [tilespmem:v12+s3+$0x0], $0xffff  }
0x3c: {  	v6 =	vld.idx.msk [tilespmem:v11+s3+$0x0], $0xffff;
	[tilespmem:s21+$0xFFFFFFF0] =	vst v13  }
0x3d: {  	s23 =	sadd.s32 $0x800, s23;
	v8 =	vld.idx.msk [tilespmem:v14+s3+$0x0], $0xffff;
	[tilespmem:s21+$0x0] =	vst v15  }
0x3e: {  	_ =	sdelay $0x3  }
0x3f: {  	v7 =	vld.idx.msk [tilespmem:v7+s3+$0x0], $0xffff;
	_ =	sdelay $0x1  }
0x40: {  	v2 =	vld.idx.msk [tilespmem:v2+s11+$0x0], $0xffff  }
0x41: {  	v1 =	vld.idx.msk [tilespmem:v1+s11+$0x0], $0xffff  }
0x42: {  	v3 =	vld.idx.msk [tilespmem:v3+s11+$0x0], $0xffff  }
0x43: {  	[tilespmem:s21+$0xFFFFFFE0] =	vst v9;
	s31 =	sadd.s32 $0x40, s21;
	v4 =	vld.idx.msk [tilespmem:v4+s11+$0x0], $0xffff  }
0x44: {  	[tilespmem:s31+$0x10] =	vst v5;
	v63 =	vld.idx.msk [tilespmem:v6+s11+$0x0], $0xffff  }
0x45: {  	s19 =	sadd.s32 $0x1, s19;
	[tilespmem:s31+$0xFFFFFFF0] =	vst v2;
	v2 =	vld.idx.msk [tilespmem:v8+s11+$0x0], $0xffff  }
0x46: {  	p1 =	sne.s32 s19, $0x20;
	[tilespmem:s31+$0x0] =	vst v1;
	v1 =	vld.idx.msk [tilespmem:v7+s11+$0x0], $0xffff  }
.Ltmp1:
0x47: {  	s21 =	sadd.s32 $0x40, s31;
	[tilespmem:s31+$0xFFFFFFE0] =	vst v3;
	(pc) =	sbr.rel @p1 .LBB2_3-.Ltmp1, $4  }
0x48: {  	[tilespmem:s21+$0x10] =	vst v4  }
0x49: {  	[tilespmem:s21+$0xFFFFFFF0] =	vst v63  }
0x4a: {  	[tilespmem:s21+$0x0] =	vst v2  }
0x4b: {  	s20 =	sadd.s32 $0x400, s20;
	[tilespmem:s21+$0xFFFFFFE0] =	vst v1  }
0x4c: {  	s19 =	sadd.s32 s7, s18  }
0x4d: {  	s19 =	sshll.u32 s19, $0xC  }
0x4e: {  	s19 =	sand.u32 $0x1FFFE000, s19  }
0x4f: {  	s19 =	sadd.s32 s4, s19  }
0x50: {  	[hbm4b:s19+s3] =	stream.linear.scatter [tilespmem:s12], [sflag:$0x1], $0x8000, $0x38;
	[tilespmem:$0x1C000] =	vst v63  }
0x51: {  	s19 =	simm.s32 @!p0 $0x2  }
0x52: {  	_ =	swait.ge @!p0 [sflag:s19], $0x8000  }
0x53: {  	s18 =	sor.u32 $0x1, s18;
	s20 =	simm.s32 $0x14030;
	[sflag:s19] =	ssyncset.done @!p0 $0x0  }
0x54: {  	s21 =	simm.s32 $0x600;
	[sflag:s19] =	ssyncadd.s32 @!p0 $0xFFFF8000;
	s19 =	simm.s32 $0x0  }
.LBB2_7:
0x55: {  	s22 =	sadd.s32 $0xFFFFFE00, s21  }
0x56: {  	s23 =	sadd.s32 $0xFFFFFA00, s21;
	v1 =	vor.u32 s22, v0  }
0x57: {  	v2 =	vor.u32 s23, v0  }
0x58: {  	v4 =	vor.u32 s21, v0  }
0x59: {  	s24 =	sadd.s32 $0xFFFFFC00, s21  }
0x5a: {  	v3 =	vor.u32 s24, v0  }
0x5b: {  	s25 =	sadd.s32 $0x800, s21;
	v1 =	vld.idx.msk [tilespmem:v1+s3+$0x0], $0xffff  }
0x5c: {  	s26 =	sadd.s32 $0xFFFFFE00, s25;
	v5 =	vor.u32 s25, v0;
	v2 =	vld.idx.msk [tilespmem:v2+s3+$0x0], $0xffff  }
0x5d: {  	s24 =	sadd.s32 $0xFFFFFA00, s25;
	v6 =	vor.u32 s26, v0;
	v4 =	vld.idx.msk [tilespmem:v4+s3+$0x0], $0xffff  }
0x5e: {  	s28 =	sadd.s32 $0xFFFFFC00, s25;
	v7 =	vor.u32 s24, v0  }
0x5f: {  	v8 =	vor.u32 s28, v0;
	v3 =	vld.idx.msk [tilespmem:v3+s3+$0x0], $0xffff  }
0x60: {  	v1 =	vadd.s32 $0x2000, v1  }
0x61: {  	v9 =	vld.idx.msk [tilespmem:v5+s3+$0x0], $0xffff;
	v2 =	vadd.s32 $0x2000, v2  }
0x62: {  	s22 =	sadd.s32 $0x800, s25;
	v10 =	vld.idx.msk [tilespmem:v6+s3+$0x0], $0xffff;
	v5 =	vadd.s32 $0x2000, v4  }
0x63: {  	v7 =	vld.idx.msk [tilespmem:v7+s3+$0x0], $0xffff;
	v6 =	vor.u32 s22, v0  }
0x64: {  	v12 =	vld.idx.msk [tilespmem:v8+s3+$0x0], $0xffff;
	v3 =	vadd.s32 $0x2000, v3  }
0x65: {  	s29 =	sadd.s32 $0xFFFFFE00, s22;
	v13 =	vld.idx.msk [tilespmem:v1+s11+$0x0], $0xffff  }
0x66: {  	s30 =	sadd.s32 $0xFFFFFA00, s22;
	v8 =	vor.u32 s29, v0;
	v4 =	vld.idx.msk [tilespmem:v2+s11+$0x0], $0xffff  }
0x67: {  	s31 =	sadd.s32 $0xFFFFFC00, s22;
	v14 =	vor.u32 s30, v0;
	v2 =	vld.idx.msk [tilespmem:v5+s11+$0x0], $0xffff  }
0x68: {  	v5 =	vld.idx.msk [tilespmem:v6+s3+$0x0], $0xffff;
	v6 =	vor.u32 s31, v0  }
0x69: {  	v10 =	vadd.s32 $0x2000, v10;
	v3 =	vld.idx.msk [tilespmem:v3+s11+$0x0], $0xffff  }
0x6a: {  	v11 =	vadd.s32 $0x2000, v7  }
0x6b: {  	v8 =	vld.idx.msk [tilespmem:v8+s3+$0x0], $0xffff;
	v7 =	vadd.s32 $0x2000, v12  }
0x6c: {  	s23 =	simm.s32 $0x8;
	s24 =	sadd.s32 $0x800, s22;
	s22 =	smov.u32 s20;
	v1 =	vadd.s32 $0x2000, v9;
	v9 =	vld.idx.msk [tilespmem:v14+s3+$0x0], $0xffff;
	[tilespmem:s20+$0xFFFFFFF0] =	vst v13  }
.LBB2_8:
0x6d: {  	s25 =	sadd.s32 $0xFFFFFC00, s24;
	s26 =	sadd.s32 $0xFFFFFE00, s24;
	v12 =	vor.u32 s24, v0;
	s23 =	sadd.s32 $0x4, s23;
	v13 =	vld.idx.msk [tilespmem:v6+s3+$0x0], $0xffff;
	[tilespmem:s22+$0xFFFFFFD0] =	vst v4  }
0x6e: {  	s28 =	sadd.s32 $0xFFFFFA00, s24;
	v6 =	vor.u32 s25, v0;
	v14 =	vor.u32 s26, v0;
	p0 =	slt.u32 s23, $0x3C;
	v15 =	vld.idx.msk [tilespmem:v10+s11+$0x0], $0xffff;
	[tilespmem:s22+$0xFFFFFFE0] =	vst v3  }
0x6f: {  	v16 =	vor.u32 s28, v0;
	v4 =	vld.idx.msk [tilespmem:v11+s11+$0x0], $0xffff;
	[tilespmem:s22+$0x0] =	vst v2  }
.Ltmp2:
0x70: {  	v5 =	vadd.s32 $0x2000, v5;
	v3 =	vld.idx.msk [tilespmem:v7+s11+$0x0], $0xffff;
	(pc) =	sbr.rel @p0 .LBB2_8-.Ltmp2, $4  }
0x71: {  	v10 =	vadd.s32 $0x2000, v8;
	v2 =	vld.idx.msk [tilespmem:v1+s11+$0x0], $0xffff;
	v1 =	vmov v5  }
0x72: {  	v11 =	vadd.s32 $0x2000, v9;
	v5 =	vld.idx.msk [tilespmem:v12+s3+$0x0], $0xffff  }
0x73: {  	s22 =	sadd.s32 $0x40, s22;
	v7 =	vadd.s32 $0x2000, v13;
	v8 =	vld.idx.msk [tilespmem:v14+s3+$0x0], $0xffff  }
0x74: {  	s24 =	sadd.s32 $0x800, s24;
	v9 =	vld.idx.msk [tilespmem:v16+s3+$0x0], $0xffff;
	[tilespmem:s22+$0xFFFFFFF0] =	vst v15  }
0x75: {  	_ =	sdelay $0x3  }
0x76: {  	v6 =	vld.idx.msk [tilespmem:v6+s3+$0x0], $0xffff;
	_ =	sdelay $0x1  }
0x77: {  	v62 =	vadd.s32 $0x2000, v5  }
0x78: {  	v10 =	vld.idx.msk [tilespmem:v10+s11+$0x0], $0xffff;
	v8 =	vadd.s32 $0x2000, v8  }
0x79: {  	v11 =	vld.idx.msk [tilespmem:v11+s11+$0x0], $0xffff;
	v9 =	vadd.s32 $0x2000, v9  }
0x7a: {  	[tilespmem:s22+$0xFFFFFFD0] =	vst v4;
	v63 =	vld.idx.msk [tilespmem:v7+s11+$0x0], $0xffff;
	v6 =	vadd.s32 $0x2000, v6  }
0x7b: {  	[tilespmem:s22+$0xFFFFFFE0] =	vst v3;
	v1 =	vld.idx.msk [tilespmem:v1+s11+$0x0], $0xffff  }
0x7c: {  	s31 =	sadd.s32 $0x40, s22;
	[tilespmem:s22+$0x0] =	vst v2;
	v4 =	vld.idx.msk [tilespmem:v62+s11+$0x0], $0xffff  }
0x7d: {  	[tilespmem:s31+$0xFFFFFFF0] =	vst v10;
	v2 =	vld.idx.msk [tilespmem:v8+s11+$0x0], $0xffff  }
0x7e: {  	s19 =	sadd.s32 $0x1, s19;
	[tilespmem:s31+$0xFFFFFFD0] =	vst v11;
	v3 =	vld.idx.msk [tilespmem:v9+s11+$0x0], $0xffff  }
0x7f: {  	p0 =	sne.s32 s19, $0x20;
	[tilespmem:s31+$0xFFFFFFE0] =	vst v63;
	v6 =	vld.idx.msk [tilespmem:v6+s11+$0x0], $0xffff  }
.Ltmp3:
0x80: {  	s22 =	sadd.s32 $0x40, s31;
	[tilespmem:s31+$0x0] =	vst v1;
	(pc) =	sbr.rel @p0 .LBB2_7-.Ltmp3, $4  }
0x81: {  	[tilespmem:s22+$0x0] =	vst v4  }
0x82: {  	[tilespmem:s22+$0xFFFFFFF0] =	vst v2  }
0x83: {  	[tilespmem:s22+$0xFFFFFFD0] =	vst v3  }
0x84: {  	s20 =	sadd.s32 $0x400, s20;
	s21 =	sadd.s32 $0x1, s21;
	[tilespmem:s22+$0xFFFFFFE0] =	vst v6  }
0x85: {  	s17 =	sadd.s32 $0x1, s17  }
0x86: {  	p0 =	sne.s32 s17, $0x8  }
.Ltmp4:
0x87: {  	s18 =	sadd.s32 s7, s18;
	(pc) =	sbr.rel @p0 .LBB2_2-.Ltmp4, $4  }
0x88: {  	s18 =	sshll.u32 s18, $0xC  }
0x89: {  	s18 =	sand.u32 $0x1FFFF000, s18  }
0x8a: {  	s18 =	sadd.s32 s4, s18  }
0x8b: {  	[hbm4b:s18+s3] =	stream.linear.scatter [tilespmem:s13], [sflag:$0x2], $0x8000, $0x38;
	[tilespmem:$0x1C000] =	vst v63  }
0x8c: {  	s16 =	sadd.s32 $0x1, s16  }
0x8d: {  	_ =	swait.ge [sflag:s14], $0x8000;
	p0 =	sne.s32 s16, s9  }
.Ltmp5:
0x8e: {  	[sflag:s14] =	ssyncset.done $0x0;
	(pc) =	sbr.rel @p0 .LBB2_1-.Ltmp5, $4  }
0x8f: {  	[sflag:s14] =	ssyncadd.s32 $0xFFFF8000  }
0x90: {  	_ =	swait.ge [sflag:s15], $0x8000  }
0x91: {  	[sflag:s15] =	ssyncset.done $0x0  }
0x92: {  	[sflag:s15] =	ssyncadd.s32 $0xFFFF8000  }
0x93: {  	_ =	sfence.sel $0x180000  }
0x94: {  	[bflag:$0x0] =	sbarrier.arrive $0xFFFF  }
0x95: {  	p0 =	sne.s32 s1, $0x0;
	_ =	strace $0x9000004A  }
0x96: {  	s0 =	sadd.s32 @!p0 $0x100000, s0;
	[bflag:$0x2] =	sbarrier.arrive $0xFFFF  }
0x97: {  	[sflag:s0] =	ssyncadd.tile.s32 @!p0 $0x1;
	_ =	shalt  }
.Lfunc_end2:
_tile_overlayer_lowered:
.L_overlay_start_2:
0x98: {  	(tag) =	ssettag $0x2  }
0x99: {  	s0 =	rddreg [dreg:$0x0];
	s2 =	stileid.u32  }
0x9a: {  	s1 =	rddreg [dreg:$0x1];
	p0 =	sne.s32 s2, $0x0  }
0x9b: {  	s3 =	rddreg [dreg:$0x2];
	[bflag:$0x3] =	sbarrier.arrive $0xFFFF;
	s2 =	simm.s32 @!p0 $0x1C03  }
0x9c: {  	[timem:s3], [sflag:s2] =	dma.local @!p0 [hbm:s0], s1  }
0x9d: {  	s0 =	simm.s32 @!p0 $0x3  }
0x9e: {  	_ =	swait.ge @!p0 [sflag:s0], s1  }
0x9f: {  	s1 =	ssub.s32 @!p0 $0x0, s1;
	[sflag:s0] =	ssyncset.done @!p0 $0x0  }
0xa0: {  	[sflag:s0] =	ssyncadd.s32 @!p0 s1  }
0xa1: {  	[bflag:$0x3] =	sbarrier.arrive $0xFFFF  }
0xa2: {  	_ =	shalt  }

</sc_bundles>
